<compile_context>
chip_gen: v7x
topology: tpu7x:2x2x1
jax: 0.10.2.dev20260603
libtpu: 0.0.44.dev20260713+nightly
codegen_flags: <defaults>
</compile_context>

<pallas_src>
import jax
import jax.numpy as jnp
from jax import lax
from jax.experimental import pallas as pl
from jax.experimental.pallas import tpu as pltpu
from jax.experimental.pallas import tpu_sc as plsc

VOCAB = 100000
EMBED = 512
BATCH = 4096
SEQ = 30

NC = 2
NS = 16
NW = NC * NS

B = BATCH * SEQ
NB_PER_W = BATCH // NW

CHUNK = 64
NBUF = 3
GDEPTH = 2
HALVES = NB_PER_W // CHUNK
NCHUNKS = SEQ * HALVES
NGROUPS = NCHUNKS // NBUF
assert NB_PER_W % CHUNK == 0 and NCHUNKS % NBUF == 0 and GDEPTH < NBUF


def _gather_body(xt_hbm, table_hbm, out_hbm, xt_v, *rest):
    bufs = rest[:NBUF]
    gsems = rest[NBUF:2 * NBUF]
    ssems = rest[2 * NBUF:]

    wid = lax.axis_index("s") * NC + lax.axis_index("c")
    out_base = wid * NB_PER_W

    pltpu.sync_copy(xt_hbm.at[:, pl.ds(out_base, NB_PER_W)], xt_v)

    def idx_chunk(c):
        return xt_v.at[c // HALVES, pl.ds((c % HALVES) * CHUNK, CHUNK)]

    def start_gather(c, b):
        pltpu.async_copy(table_hbm.at[idx_chunk(c)], bufs[b], gsems[b])

    def wait_gather(b):
        pltpu.make_async_copy(table_hbm.at[idx_chunk(0)], bufs[b],
                              gsems[b]).wait()

    def start_scatter(c, b):
        s = c // HALVES
        h = c % HALVES
        row = s * BATCH + out_base + h * CHUNK
        pltpu.async_copy(bufs[b], out_hbm.at[pl.ds(row, CHUNK)], ssems[b])

    def wait_scatter(b):
        dst = out_hbm.at[pl.ds(out_base, CHUNK)]
        pltpu.make_async_copy(bufs[b], dst, ssems[b]).wait()

    for c0 in range(GDEPTH):
        start_gather(c0, c0 % NBUF)

    def group(g, _):
        for b in range(NBUF):
            c = g * NBUF + b
            wait_gather(b)
            start_scatter(c, b)
            cg = c + GDEPTH
            bg = (b + GDEPTH) % NBUF

            @pl.when(cg < NCHUNKS)
            def _():
                @pl.when(cg >= NBUF)
                def _():
                    wait_scatter(bg)

                start_gather(cg, bg)
        return 0

    lax.fori_loop(0, NGROUPS, group, 0)

    for b in range(NBUF):
        wait_scatter(b)


@jax.jit
def _gather(xt, table):
    mesh = plsc.VectorSubcoreMesh(
        core_axis_name="c", subcore_axis_name="s", num_cores=NC, num_subcores=NS
    )
    return pl.kernel(
        _gather_body,
        out_type=jax.ShapeDtypeStruct((B, EMBED), jnp.float32),
        mesh=mesh,
        compiler_params=pltpu.CompilerParams(needs_layout_passes=False),
        scratch_types=[
            pltpu.VMEM((SEQ, NB_PER_W), jnp.int32),
        ]
        + [pltpu.VMEM((CHUNK, EMBED), jnp.float32) for _ in range(NBUF)]
        + [pltpu.SemaphoreType.DMA for _ in range(2 * NBUF)],
    )(xt, table)


def kernel(x, table):
    out = _gather(x.T, table)
    return out.reshape(SEQ, BATCH, EMBED).transpose(1, 0, 2)

# --- scband reference (transcript-rebuilt; emitter-appended) ---
"""Pipeline reference for scband-word2vec-embedding-60095182405712 (READ-ONLY COPY).

The authoritative reference and input builder live on the scoring server;
editing this copy changes nothing except your own understanding.
"""

import jax, jax.numpy as jnp
import numpy as np

VOCAB = 100000
EMBED = 512
BATCH = 4096
SEQ = 30

def setup_inputs(seed: int = 0) -> dict:
    key = jax.random.key(seed)
    k1, k2 = jax.random.split(key)
    x = jax.random.randint(k1, (BATCH, SEQ), 0, VOCAB, dtype=jnp.int64 if jax.config.jax_enable_x64 else jnp.int32).astype(jnp.int32)
    # The word2vec_model is modeled as a dense embedding table: any word id present
    # in the model maps to its vector; missing words map to zeros. We model the
    # 'missing word -> zero vector' path with a per-row presence mask baked into the
    # table (rows for missing words are zero), which is mathematically identical to
    # the torch loop that concatenates either the word2vec vector or zeros(512).
    table = jax.random.normal(k2, (VOCAB, EMBED), dtype=jnp.float32) * 0.02
    # mark ~1% of vocab rows as 'missing from word2vec_model' -> zero vectors
    k3 = jax.random.fold_in(key, 7)
    present = (jax.random.uniform(k3, (VOCAB, 1)) > 0.01).astype(jnp.float32)
    table = table * present
    return {"x": x, "table": table}

def reference(x, table):
    # Faithful translation of the torch forward: for each sequence in the batch,
    # for each word, look up its 512-d word2vec vector (or zeros if absent),
    # stack to [30, 512], then stack sequences to [B, 30, 512].
    # This is exactly a row gather from the table.
    out = jnp.take(table, x, axis=0)  # [B, 30, 512]
    return out

if __name__ == "__main__":
    import jax
    _d = setup_inputs()
    print(jax.jit(kernel)(*tuple(_d.values())))

</pallas_src>

<mosaic_0001>
#map = affine_map<(d0, d1) -> (0, 0)>
module attributes {stable_mosaic.version = 14 : i64} {
  func.func @_gather_body(%arg0: i32, %arg1: i32, %arg2: memref<30x4096xi32, #tpu.memory_space<hbm>>, %arg3: memref<100000x512xf32, #tpu.memory_space<hbm>>, %arg4: memref<122880x512xf32, #tpu.memory_space<hbm>>, %arg5: memref<30x128xi32, #tpu.memory_space<vmem>>, %arg6: memref<64x512xf32, #tpu.memory_space<vmem>>, %arg7: memref<64x512xf32, #tpu.memory_space<vmem>>, %arg8: memref<64x512xf32, #tpu.memory_space<vmem>>, %arg9: memref<!tpu.dma_semaphore, #tpu.memory_space<semaphore_mem>>, %arg10: memref<!tpu.dma_semaphore, #tpu.memory_space<semaphore_mem>>, %arg11: memref<!tpu.dma_semaphore, #tpu.memory_space<semaphore_mem>>, %arg12: memref<!tpu.dma_semaphore, #tpu.memory_space<semaphore_mem>>, %arg13: memref<!tpu.dma_semaphore, #tpu.memory_space<semaphore_mem>>, %arg14: memref<!tpu.dma_semaphore, #tpu.memory_space<semaphore_mem>>) attributes {dimension_semantics = [#tpu.dimension_semantics<core_parallel>, #tpu.dimension_semantics<subcore_parallel>], iteration_bounds = array<i64: 2, 16>, scalar_prefetch = 0 : i64, scratch_operands = 10 : i64, tpu.core_type = #tpu.core_type<sc_vector_subcore>, window_params = [{transform_indices = #map}, {transform_indices = #map}, {transform_indices = #map}]} {
    %mul3A = arith.constant 2 : i32
    %mul3A_0 = arith.muli %arg1, %mul3A : i32
    %add3A = arith.addi %mul3A_0, %arg0 : i32
    %mul3A_1 = arith.constant 128 : i32
    %mul3A_2 = arith.muli %add3A, %mul3A_1 : i32
    "tpu.region"() ({
      %run_scoped3A = tpu.sem_alloc : memref<!tpu.dma_semaphore, #tpu.memory_space<semaphore_mem>>
      %dma_start3A_33 = arith.constant 0 : i32
      %dma_start3A_34 = tpu.memref_slice %arg2[%dma_start3A_33, %mul3A_2] : memref<30x4096xi32, #tpu.memory_space<hbm>> -> memref<30x128xi32, #tpu.memory_space<hbm>>
      %dma_start3A_35 = arith.constant 0 : i32
      %dma_start3A_36 = tpu.memref_slice %arg2[%dma_start3A_35, %mul3A_2] : memref<30x4096xi32, #tpu.memory_space<hbm>> -> memref<30x128xi32, #tpu.memory_space<hbm>>
      tpu.enqueue_dma source(%dma_start3A_36 : memref<30x128xi32, #tpu.memory_space<hbm>>) target(%arg5 : memref<30x128xi32, #tpu.memory_space<vmem>>) target_semaphore(%run_scoped3A : memref<!tpu.dma_semaphore, #tpu.memory_space<semaphore_mem>>)
      %dma_wait3A_37 = arith.constant 0 : i32
      %dma_wait3A_38 = tpu.memref_slice %arg2[%dma_wait3A_37, %mul3A_2] : memref<30x4096xi32, #tpu.memory_space<hbm>> -> memref<30x128xi32, #tpu.memory_space<hbm>>
      %dma_wait3A_39 = arith.constant 0 : i32
      %dma_wait3A_40 = tpu.memref_slice %arg2[%dma_wait3A_39, %mul3A_2] : memref<30x4096xi32, #tpu.memory_space<hbm>> -> memref<30x128xi32, #tpu.memory_space<hbm>>
      tpu.wait_dma2 semaphore(%run_scoped3A : memref<!tpu.dma_semaphore, #tpu.memory_space<semaphore_mem>>) src(%dma_wait3A_40 : memref<30x128xi32, #tpu.memory_space<hbm>>) dst(%arg5 : memref<30x128xi32, #tpu.memory_space<vmem>>)
      tpu.yield
    }) : () -> ()
    %dma_start3A = arith.constant 0 : i32
    %dma_start3A_3 = arith.constant 0 : i32
    %dma_start3A_4 = tpu.memref_slice %arg5[%dma_start3A, %dma_start3A_3] : memref<30x128xi32, #tpu.memory_space<vmem>> -> memref<1x64xi32, #tpu.memory_space<vmem>>
    %dma_start3A_5 = tpu.memref_squeeze %dma_start3A_4 : memref<1x64xi32, #tpu.memory_space<vmem>> -> memref<64xi32, #tpu.memory_space<vmem>>
    %dma_start3A_6 = arith.constant 0 : i32
    %dma_start3A_7 = arith.constant 0 : i32
    %dma_start3A_8 = tpu.memref_slice %arg3[%dma_start3A_6, %dma_start3A_7] : memref<100000x512xf32, #tpu.memory_space<hbm>> -> memref<100000x512xf32, #tpu.memory_space<hbm>>
    tpu.enqueue_indirect_dma source(%dma_start3A_8 : memref<100000x512xf32, #tpu.memory_space<hbm>>) target(%arg6 : memref<64x512xf32, #tpu.memory_space<vmem>>) offsets(%dma_start3A_5 : memref<64xi32, #tpu.memory_space<vmem>>) semaphore(%arg9 : memref<!tpu.dma_semaphore, #tpu.memory_space<semaphore_mem>>)
    %dma_start3A_9 = arith.constant 0 : i32
    %dma_start3A_10 = arith.constant 64 : i32
    %dma_start3A_11 = tpu.memref_slice %arg5[%dma_start3A_9, %dma_start3A_10] : memref<30x128xi32, #tpu.memory_space<vmem>> -> memref<1x64xi32, #tpu.memory_space<vmem>>
    %dma_start3A_12 = tpu.memref_squeeze %dma_start3A_11 : memref<1x64xi32, #tpu.memory_space<vmem>> -> memref<64xi32, #tpu.memory_space<vmem>>
    %dma_start3A_13 = arith.constant 0 : i32
    %dma_start3A_14 = arith.constant 0 : i32
    %dma_start3A_15 = tpu.memref_slice %arg3[%dma_start3A_13, %dma_start3A_14] : memref<100000x512xf32, #tpu.memory_space<hbm>> -> memref<100000x512xf32, #tpu.memory_space<hbm>>
    tpu.enqueue_indirect_dma source(%dma_start3A_15 : memref<100000x512xf32, #tpu.memory_space<hbm>>) target(%arg7 : memref<64x512xf32, #tpu.memory_space<vmem>>) offsets(%dma_start3A_12 : memref<64xi32, #tpu.memory_space<vmem>>) semaphore(%arg10 : memref<!tpu.dma_semaphore, #tpu.memory_space<semaphore_mem>>)
    %scan3A = arith.constant 0 : i32
    %scan3A_16 = arith.constant 0 : i32
    %scan3A_17 = arith.constant 20 : i32
    %scan3A_18 = arith.addi %scan3A_16, %scan3A_17 : i32
    %scan3A_19 = arith.constant 1 : i32
    %scan3A_20 = scf.for %scan3A_33 = %scan3A_16 to %scan3A_18 step %scan3A_19 iter_args(%scan3A_34 = %scan3A) -> (i32)  : i32 {
      %mul3A_35 = arith.constant 3 : i32
      %mul3A_36 = arith.muli %scan3A_33, %mul3A_35 : i32
      %add3A_37 = arith.constant 0 : i32
      %add3A_38 = arith.addi %mul3A_36, %add3A_37 : i32
      %dma_wait3A_39 = arith.constant 0 : i32
      %dma_wait3A_40 = arith.constant 0 : i32
      %dma_wait3A_41 = tpu.memref_slice %arg5[%dma_wait3A_39, %dma_wait3A_40] : memref<30x128xi32, #tpu.memory_space<vmem>> -> memref<1x64xi32, #tpu.memory_space<vmem>>
      %dma_wait3A_42 = tpu.memref_squeeze %dma_wait3A_41 : memref<1x64xi32, #tpu.memory_space<vmem>> -> memref<64xi32, #tpu.memory_space<vmem>>
      %dma_wait3A_43 = arith.constant 0 : i32
      %dma_wait3A_44 = arith.constant 0 : i32
      %dma_wait3A_45 = tpu.memref_slice %arg3[%dma_wait3A_43, %dma_wait3A_44] : memref<100000x512xf32, #tpu.memory_space<hbm>> -> memref<100000x512xf32, #tpu.memory_space<hbm>>
      tpu.wait_indirect_dma semaphore(%arg9 : memref<!tpu.dma_semaphore, #tpu.memory_space<semaphore_mem>>) src(%dma_wait3A_45 : memref<100000x512xf32, #tpu.memory_space<hbm>>) dst(%arg6 : memref<64x512xf32, #tpu.memory_space<vmem>>)
      %jit3A = arith.constant 2 : i32
      %div3A = arith.divsi %add3A_38, %jit3A : i32
      %sign3A = arith.constant 0 : i32
      %sign3A_46 = arith.cmpi sgt, %add3A_38, %sign3A : i32
      %sign3A_47 = arith.extui %sign3A_46 : i1 to i32
      %sign3A_48 = arith.constant 0 : i32
      %sign3A_49 = arith.cmpi slt, %add3A_38, %sign3A_48 : i32
      %sign3A_50 = arith.extui %sign3A_49 : i1 to i32
      %sign3A_51 = arith.subi %sign3A_47, %sign3A_50 : i32
      %sign3A_52 = arith.constant 0 : i32
      %sign3A_53 = arith.cmpi sgt, %jit3A, %sign3A_52 : i32
      %sign3A_54 = arith.extui %sign3A_53 : i1 to i32
      %sign3A_55 = arith.constant 0 : i32
      %sign3A_56 = arith.cmpi slt, %jit3A, %sign3A_55 : i32
      %sign3A_57 = arith.extui %sign3A_56 : i1 to i32
      %sign3A_58 = arith.subi %sign3A_54, %sign3A_57 : i32
      %ne3A = arith.cmpi ne, %sign3A_51, %sign3A_58 : i32
      %rem3A = arith.remsi %add3A_38, %jit3A : i32
      %ne3A_59 = arith.constant 0 : i32
      %ne3A_60 = arith.cmpi ne, %rem3A, %ne3A_59 : i32
      %and3A = arith.andi %ne3A, %ne3A_60 : i1
      %sub3A = arith.constant 1 : i32
      %sub3A_61 = arith.subi %div3A, %sub3A : i32
      %select_n3A = arith.select %and3A, %sub3A_61, %div3A : i32
      %jit3A_62 = arith.constant 2 : i32
      %eq3A = arith.constant 0 : i32
      %eq3A_63 = arith.cmpi eq, %jit3A_62, %eq3A : i32
      %jit3A_64 = arith.constant 1 : i32
      %select_n3A_65 = arith.select %eq3A_63, %jit3A_64, %jit3A_62 : i32
      %rem3A_66 = arith.remsi %add3A_38, %select_n3A_65 : i32
      %ne3A_67 = arith.constant 0 : i32
      %ne3A_68 = arith.cmpi ne, %rem3A_66, %ne3A_67 : i32
      %lt3A = arith.constant 0 : i32
      %lt3A_69 = arith.cmpi slt, %rem3A_66, %lt3A : i32
      %lt3A_70 = arith.constant 0 : i32
      %lt3A_71 = arith.cmpi slt, %select_n3A_65, %lt3A_70 : i32
      %ne3A_72 = arith.xori %lt3A_69, %lt3A_71 : i1
      %and3A_73 = arith.andi %ne3A_72, %ne3A_68 : i1
      %add3A_74 = arith.addi %rem3A_66, %select_n3A_65 : i32
      %select_n3A_75 = arith.select %and3A_73, %add3A_74, %rem3A_66 : i32
      %mul3A_76 = arith.constant 4096 : i32
      %mul3A_77 = arith.muli %select_n3A, %mul3A_76 : i32
      %add3A_78 = arith.addi %mul3A_77, %mul3A_2 : i32
      %mul3A_79 = arith.constant 64 : i32
      %mul3A_80 = arith.muli %select_n3A_75, %mul3A_79 : i32
      %add3A_81 = arith.addi %add3A_78, %mul3A_80 : i32
      %dma_start3A_82 = arith.constant 0 : i32
      %dma_start3A_83 = tpu.memref_slice %arg4[%add3A_81, %dma_start3A_82] : memref<122880x512xf32, #tpu.memory_space<hbm>> -> memref<64x512xf32, #tpu.memory_space<hbm>>
      %dma_start3A_84 = arith.constant 0 : i32
      %dma_start3A_85 = tpu.memref_slice %arg4[%add3A_81, %dma_start3A_84] : memref<122880x512xf32, #tpu.memory_space<hbm>> -> memref<64x512xf32, #tpu.memory_space<hbm>>
      tpu.enqueue_dma source(%arg6 : memref<64x512xf32, #tpu.memory_space<vmem>>) target(%dma_start3A_85 : memref<64x512xf32, #tpu.memory_space<hbm>>) target_semaphore(%arg12 : memref<!tpu.dma_semaphore, #tpu.memory_space<semaphore_mem>>)
      %add3A_86 = arith.constant 2 : i32
      %add3A_87 = arith.addi %add3A_38, %add3A_86 : i32
      %lt3A_88 = arith.constant 60 : i32
      %lt3A_89 = arith.cmpi slt, %add3A_87, %lt3A_88 : i32
      %convert_element_type3A = arith.extui %lt3A_89 : i1 to i32
      %cond3A = arith.constant 0 : i32
      %cond3A_90 = arith.cmpi ne, %convert_element_type3A, %cond3A : i32
      scf.if %cond3A_90 {
        %ge3A = arith.constant 3 : i32
        %ge3A_228 = arith.cmpi sge, %add3A_87, %ge3A : i32
        %convert_element_type3A_229 = arith.extui %ge3A_228 : i1 to i32
        %cond3A_230 = arith.constant 0 : i32
        %cond3A_231 = arith.cmpi ne, %convert_element_type3A_229, %cond3A_230 : i32
        scf.if %cond3A_231 {
          %dma_wait3A_279 = arith.constant 0 : i32
          %dma_wait3A_280 = tpu.memref_slice %arg4[%mul3A_2, %dma_wait3A_279] : memref<122880x512xf32, #tpu.memory_space<hbm>> -> memref<64x512xf32, #tpu.memory_space<hbm>>
          %dma_wait3A_281 = arith.constant 0 : i32
          %dma_wait3A_282 = tpu.memref_slice %arg4[%mul3A_2, %dma_wait3A_281] : memref<122880x512xf32, #tpu.memory_space<hbm>> -> memref<64x512xf32, #tpu.memory_space<hbm>>
          tpu.wait_dma2 semaphore(%arg14 : memref<!tpu.dma_semaphore, #tpu.memory_space<semaphore_mem>>) src(%arg8 : memref<64x512xf32, #tpu.memory_space<vmem>>) dst(%dma_wait3A_282 : memref<64x512xf32, #tpu.memory_space<hbm>>)
        } else {
        }
        %jit3A_232 = arith.constant 2 : i32
        %div3A_233 = arith.divsi %add3A_87, %jit3A_232 : i32
        %sign3A_234 = arith.constant 0 : i32
        %sign3A_235 = arith.cmpi sgt, %add3A_87, %sign3A_234 : i32
        %sign3A_236 = arith.extui %sign3A_235 : i1 to i32
        %sign3A_237 = arith.constant 0 : i32
        %sign3A_238 = arith.cmpi slt, %add3A_87, %sign3A_237 : i32
        %sign3A_239 = arith.extui %sign3A_238 : i1 to i32
        %sign3A_240 = arith.subi %sign3A_236, %sign3A_239 : i32
        %sign3A_241 = arith.constant 0 : i32
        %sign3A_242 = arith.cmpi sgt, %jit3A_232, %sign3A_241 : i32
        %sign3A_243 = arith.extui %sign3A_242 : i1 to i32
        %sign3A_244 = arith.constant 0 : i32
        %sign3A_245 = arith.cmpi slt, %jit3A_232, %sign3A_244 : i32
        %sign3A_246 = arith.extui %sign3A_245 : i1 to i32
        %sign3A_247 = arith.subi %sign3A_243, %sign3A_246 : i32
        %ne3A_248 = arith.cmpi ne, %sign3A_240, %sign3A_247 : i32
        %rem3A_249 = arith.remsi %add3A_87, %jit3A_232 : i32
        %ne3A_250 = arith.constant 0 : i32
        %ne3A_251 = arith.cmpi ne, %rem3A_249, %ne3A_250 : i32
        %and3A_252 = arith.andi %ne3A_248, %ne3A_251 : i1
        %sub3A_253 = arith.constant 1 : i32
        %sub3A_254 = arith.subi %div3A_233, %sub3A_253 : i32
        %select_n3A_255 = arith.select %and3A_252, %sub3A_254, %div3A_233 : i32
        %jit3A_256 = arith.constant 2 : i32
        %eq3A_257 = arith.constant 0 : i32
        %eq3A_258 = arith.cmpi eq, %jit3A_256, %eq3A_257 : i32
        %jit3A_259 = arith.constant 1 : i32
        %select_n3A_260 = arith.select %eq3A_258, %jit3A_259, %jit3A_256 : i32
        %rem3A_261 = arith.remsi %add3A_87, %select_n3A_260 : i32
        %ne3A_262 = arith.constant 0 : i32
        %ne3A_263 = arith.cmpi ne, %rem3A_261, %ne3A_262 : i32
        %lt3A_264 = arith.constant 0 : i32
        %lt3A_265 = arith.cmpi slt, %rem3A_261, %lt3A_264 : i32
        %lt3A_266 = arith.constant 0 : i32
        %lt3A_267 = arith.cmpi slt, %select_n3A_260, %lt3A_266 : i32
        %ne3A_268 = arith.xori %lt3A_265, %lt3A_267 : i1
        %and3A_269 = arith.andi %ne3A_268, %ne3A_263 : i1
        %add3A_270 = arith.addi %rem3A_261, %select_n3A_260 : i32
        %select_n3A_271 = arith.select %and3A_269, %add3A_270, %rem3A_261 : i32
        %mul3A_272 = arith.constant 64 : i32
        %mul3A_273 = arith.muli %select_n3A_271, %mul3A_272 : i32
        %dma_start3A_274 = tpu.memref_slice %arg5[%select_n3A_255, %mul3A_273] : memref<30x128xi32, #tpu.memory_space<vmem>> -> memref<1x64xi32, #tpu.memory_space<vmem>>
        %dma_start3A_275 = tpu.memref_squeeze %dma_start3A_274 : memref<1x64xi32, #tpu.memory_space<vmem>> -> memref<64xi32, #tpu.memory_space<vmem>>
        %dma_start3A_276 = arith.constant 0 : i32
        %dma_start3A_277 = arith.constant 0 : i32
        %dma_start3A_278 = tpu.memref_slice %arg3[%dma_start3A_276, %dma_start3A_277] : memref<100000x512xf32, #tpu.memory_space<hbm>> -> memref<100000x512xf32, #tpu.memory_space<hbm>>
        tpu.enqueue_indirect_dma source(%dma_start3A_278 : memref<100000x512xf32, #tpu.memory_space<hbm>>) target(%arg8 : memref<64x512xf32, #tpu.memory_space<vmem>>) offsets(%dma_start3A_275 : memref<64xi32, #tpu.memory_space<vmem>>) semaphore(%arg11 : memref<!tpu.dma_semaphore, #tpu.memory_space<semaphore_mem>>)
      } else {
      }
      %mul3A_91 = arith.constant 3 : i32
      %mul3A_92 = arith.muli %scan3A_33, %mul3A_91 : i32
      %add3A_93 = arith.constant 1 : i32
      %add3A_94 = arith.addi %mul3A_92, %add3A_93 : i32
      %dma_wait3A_95 = arith.constant 0 : i32
      %dma_wait3A_96 = arith.constant 0 : i32
      %dma_wait3A_97 = tpu.memref_slice %arg5[%dma_wait3A_95, %dma_wait3A_96] : memref<30x128xi32, #tpu.memory_space<vmem>> -> memref<1x64xi32, #tpu.memory_space<vmem>>
      %dma_wait3A_98 = tpu.memref_squeeze %dma_wait3A_97 : memref<1x64xi32, #tpu.memory_space<vmem>> -> memref<64xi32, #tpu.memory_space<vmem>>
      %dma_wait3A_99 = arith.constant 0 : i32
      %dma_wait3A_100 = arith.constant 0 : i32
      %dma_wait3A_101 = tpu.memref_slice %arg3[%dma_wait3A_99, %dma_wait3A_100] : memref<100000x512xf32, #tpu.memory_space<hbm>> -> memref<100000x512xf32, #tpu.memory_space<hbm>>
      tpu.wait_indirect_dma semaphore(%arg10 : memref<!tpu.dma_semaphore, #tpu.memory_space<semaphore_mem>>) src(%dma_wait3A_101 : memref<100000x512xf32, #tpu.memory_space<hbm>>) dst(%arg7 : memref<64x512xf32, #tpu.memory_space<vmem>>)
      %jit3A_102 = arith.constant 2 : i32
      %div3A_103 = arith.divsi %add3A_94, %jit3A_102 : i32
      %sign3A_104 = arith.constant 0 : i32
      %sign3A_105 = arith.cmpi sgt, %add3A_94, %sign3A_104 : i32
      %sign3A_106 = arith.extui %sign3A_105 : i1 to i32
      %sign3A_107 = arith.constant 0 : i32
      %sign3A_108 = arith.cmpi slt, %add3A_94, %sign3A_107 : i32
      %sign3A_109 = arith.extui %sign3A_108 : i1 to i32
      %sign3A_110 = arith.subi %sign3A_106, %sign3A_109 : i32
      %sign3A_111 = arith.constant 0 : i32
      %sign3A_112 = arith.cmpi sgt, %jit3A_102, %sign3A_111 : i32
      %sign3A_113 = arith.extui %sign3A_112 : i1 to i32
      %sign3A_114 = arith.constant 0 : i32
      %sign3A_115 = arith.cmpi slt, %jit3A_102, %sign3A_114 : i32
      %sign3A_116 = arith.extui %sign3A_115 : i1 to i32
      %sign3A_117 = arith.subi %sign3A_113, %sign3A_116 : i32
      %ne3A_118 = arith.cmpi ne, %sign3A_110, %sign3A_117 : i32
      %rem3A_119 = arith.remsi %add3A_94, %jit3A_102 : i32
      %ne3A_120 = arith.constant 0 : i32
      %ne3A_121 = arith.cmpi ne, %rem3A_119, %ne3A_120 : i32
      %and3A_122 = arith.andi %ne3A_118, %ne3A_121 : i1
      %sub3A_123 = arith.constant 1 : i32
      %sub3A_124 = arith.subi %div3A_103, %sub3A_123 : i32
      %select_n3A_125 = arith.select %and3A_122, %sub3A_124, %div3A_103 : i32
      %jit3A_126 = arith.constant 2 : i32
      %eq3A_127 = arith.constant 0 : i32
      %eq3A_128 = arith.cmpi eq, %jit3A_126, %eq3A_127 : i32
      %jit3A_129 = arith.constant 1 : i32
      %select_n3A_130 = arith.select %eq3A_128, %jit3A_129, %jit3A_126 : i32
      %rem3A_131 = arith.remsi %add3A_94, %select_n3A_130 : i32
      %ne3A_132 = arith.constant 0 : i32
      %ne3A_133 = arith.cmpi ne, %rem3A_131, %ne3A_132 : i32
      %lt3A_134 = arith.constant 0 : i32
      %lt3A_135 = arith.cmpi slt, %rem3A_131, %lt3A_134 : i32
      %lt3A_136 = arith.constant 0 : i32
      %lt3A_137 = arith.cmpi slt, %select_n3A_130, %lt3A_136 : i32
      %ne3A_138 = arith.xori %lt3A_135, %lt3A_137 : i1
      %and3A_139 = arith.andi %ne3A_138, %ne3A_133 : i1
      %add3A_140 = arith.addi %rem3A_131, %select_n3A_130 : i32
      %select_n3A_141 = arith.select %and3A_139, %add3A_140, %rem3A_131 : i32
      %mul3A_142 = arith.constant 4096 : i32
      %mul3A_143 = arith.muli %select_n3A_125, %mul3A_142 : i32
      %add3A_144 = arith.addi %mul3A_143, %mul3A_2 : i32
      %mul3A_145 = arith.constant 64 : i32
      %mul3A_146 = arith.muli %select_n3A_141, %mul3A_145 : i32
      %add3A_147 = arith.addi %add3A_144, %mul3A_146 : i32
      %dma_start3A_148 = arith.constant 0 : i32
      %dma_start3A_149 = tpu.memref_slice %arg4[%add3A_147, %dma_start3A_148] : memref<122880x512xf32, #tpu.memory_space<hbm>> -> memref<64x512xf32, #tpu.memory_space<hbm>>
      %dma_start3A_150 = arith.constant 0 : i32
      %dma_start3A_151 = tpu.memref_slice %arg4[%add3A_147, %dma_start3A_150] : memref<122880x512xf32, #tpu.memory_space<hbm>> -> memref<64x512xf32, #tpu.memory_space<hbm>>
      tpu.enqueue_dma source(%arg7 : memref<64x512xf32, #tpu.memory_space<vmem>>) target(%dma_start3A_151 : memref<64x512xf32, #tpu.memory_space<hbm>>) target_semaphore(%arg13 : memref<!tpu.dma_semaphore, #tpu.memory_space<semaphore_mem>>)
      %add3A_152 = arith.constant 2 : i32
      %add3A_153 = arith.addi %add3A_94, %add3A_152 : i32
      %lt3A_154 = arith.constant 60 : i32
      %lt3A_155 = arith.cmpi slt, %add3A_153, %lt3A_154 : i32
      %convert_element_type3A_156 = arith.extui %lt3A_155 : i1 to i32
      %cond3A_157 = arith.constant 0 : i32
      %cond3A_158 = arith.cmpi ne, %convert_element_type3A_156, %cond3A_157 : i32
      scf.if %cond3A_158 {
        %ge3A = arith.constant 3 : i32
        %ge3A_228 = arith.cmpi sge, %add3A_153, %ge3A : i32
        %convert_element_type3A_229 = arith.extui %ge3A_228 : i1 to i32
        %cond3A_230 = arith.constant 0 : i32
        %cond3A_231 = arith.cmpi ne, %convert_element_type3A_229, %cond3A_230 : i32
        scf.if %cond3A_231 {
          %dma_wait3A_279 = arith.constant 0 : i32
          %dma_wait3A_280 = tpu.memref_slice %arg4[%mul3A_2, %dma_wait3A_279] : memref<122880x512xf32, #tpu.memory_space<hbm>> -> memref<64x512xf32, #tpu.memory_space<hbm>>
          %dma_wait3A_281 = arith.constant 0 : i32
          %dma_wait3A_282 = tpu.memref_slice %arg4[%mul3A_2, %dma_wait3A_281] : memref<122880x512xf32, #tpu.memory_space<hbm>> -> memref<64x512xf32, #tpu.memory_space<hbm>>
          tpu.wait_dma2 semaphore(%arg12 : memref<!tpu.dma_semaphore, #tpu.memory_space<semaphore_mem>>) src(%arg6 : memref<64x512xf32, #tpu.memory_space<vmem>>) dst(%dma_wait3A_282 : memref<64x512xf32, #tpu.memory_space<hbm>>)
        } else {
        }
        %jit3A_232 = arith.constant 2 : i32
        %div3A_233 = arith.divsi %add3A_153, %jit3A_232 : i32
        %sign3A_234 = arith.constant 0 : i32
        %sign3A_235 = arith.cmpi sgt, %add3A_153, %sign3A_234 : i32
        %sign3A_236 = arith.extui %sign3A_235 : i1 to i32
        %sign3A_237 = arith.constant 0 : i32
        %sign3A_238 = arith.cmpi slt, %add3A_153, %sign3A_237 : i32
        %sign3A_239 = arith.extui %sign3A_238 : i1 to i32
        %sign3A_240 = arith.subi %sign3A_236, %sign3A_239 : i32
        %sign3A_241 = arith.constant 0 : i32
        %sign3A_242 = arith.cmpi sgt, %jit3A_232, %sign3A_241 : i32
        %sign3A_243 = arith.extui %sign3A_242 : i1 to i32
        %sign3A_244 = arith.constant 0 : i32
        %sign3A_245 = arith.cmpi slt, %jit3A_232, %sign3A_244 : i32
        %sign3A_246 = arith.extui %sign3A_245 : i1 to i32
        %sign3A_247 = arith.subi %sign3A_243, %sign3A_246 : i32
        %ne3A_248 = arith.cmpi ne, %sign3A_240, %sign3A_247 : i32
        %rem3A_249 = arith.remsi %add3A_153, %jit3A_232 : i32
        %ne3A_250 = arith.constant 0 : i32
        %ne3A_251 = arith.cmpi ne, %rem3A_249, %ne3A_250 : i32
        %and3A_252 = arith.andi %ne3A_248, %ne3A_251 : i1
        %sub3A_253 = arith.constant 1 : i32
        %sub3A_254 = arith.subi %div3A_233, %sub3A_253 : i32
        %select_n3A_255 = arith.select %and3A_252, %sub3A_254, %div3A_233 : i32
        %jit3A_256 = arith.constant 2 : i32
        %eq3A_257 = arith.constant 0 : i32
        %eq3A_258 = arith.cmpi eq, %jit3A_256, %eq3A_257 : i32
        %jit3A_259 = arith.constant 1 : i32
        %select_n3A_260 = arith.select %eq3A_258, %jit3A_259, %jit3A_256 : i32
        %rem3A_261 = arith.remsi %add3A_153, %select_n3A_260 : i32
        %ne3A_262 = arith.constant 0 : i32
        %ne3A_263 = arith.cmpi ne, %rem3A_261, %ne3A_262 : i32
        %lt3A_264 = arith.constant 0 : i32
        %lt3A_265 = arith.cmpi slt, %rem3A_261, %lt3A_264 : i32
        %lt3A_266 = arith.constant 0 : i32
        %lt3A_267 = arith.cmpi slt, %select_n3A_260, %lt3A_266 : i32
        %ne3A_268 = arith.xori %lt3A_265, %lt3A_267 : i1
        %and3A_269 = arith.andi %ne3A_268, %ne3A_263 : i1
        %add3A_270 = arith.addi %rem3A_261, %select_n3A_260 : i32
        %select_n3A_271 = arith.select %and3A_269, %add3A_270, %rem3A_261 : i32
        %mul3A_272 = arith.constant 64 : i32
        %mul3A_273 = arith.muli %select_n3A_271, %mul3A_272 : i32
        %dma_start3A_274 = tpu.memref_slice %arg5[%select_n3A_255, %mul3A_273] : memref<30x128xi32, #tpu.memory_space<vmem>> -> memref<1x64xi32, #tpu.memory_space<vmem>>
        %dma_start3A_275 = tpu.memref_squeeze %dma_start3A_274 : memref<1x64xi32, #tpu.memory_space<vmem>> -> memref<64xi32, #tpu.memory_space<vmem>>
        %dma_start3A_276 = arith.constant 0 : i32
        %dma_start3A_277 = arith.constant 0 : i32
        %dma_start3A_278 = tpu.memref_slice %arg3[%dma_start3A_276, %dma_start3A_277] : memref<100000x512xf32, #tpu.memory_space<hbm>> -> memref<100000x512xf32, #tpu.memory_space<hbm>>
        tpu.enqueue_indirect_dma source(%dma_start3A_278 : memref<100000x512xf32, #tpu.memory_space<hbm>>) target(%arg6 : memref<64x512xf32, #tpu.memory_space<vmem>>) offsets(%dma_start3A_275 : memref<64xi32, #tpu.memory_space<vmem>>) semaphore(%arg9 : memref<!tpu.dma_semaphore, #tpu.memory_space<semaphore_mem>>)
      } else {
      }
      %mul3A_159 = arith.constant 3 : i32
      %mul3A_160 = arith.muli %scan3A_33, %mul3A_159 : i32
      %add3A_161 = arith.constant 2 : i32
      %add3A_162 = arith.addi %mul3A_160, %add3A_161 : i32
      %dma_wait3A_163 = arith.constant 0 : i32
      %dma_wait3A_164 = arith.constant 0 : i32
      %dma_wait3A_165 = tpu.memref_slice %arg5[%dma_wait3A_163, %dma_wait3A_164] : memref<30x128xi32, #tpu.memory_space<vmem>> -> memref<1x64xi32, #tpu.memory_space<vmem>>
      %dma_wait3A_166 = tpu.memref_squeeze %dma_wait3A_165 : memref<1x64xi32, #tpu.memory_space<vmem>> -> memref<64xi32, #tpu.memory_space<vmem>>
      %dma_wait3A_167 = arith.constant 0 : i32
      %dma_wait3A_168 = arith.constant 0 : i32
      %dma_wait3A_169 = tpu.memref_slice %arg3[%dma_wait3A_167, %dma_wait3A_168] : memref<100000x512xf32, #tpu.memory_space<hbm>> -> memref<100000x512xf32, #tpu.memory_space<hbm>>
      tpu.wait_indirect_dma semaphore(%arg11 : memref<!tpu.dma_semaphore, #tpu.memory_space<semaphore_mem>>) src(%dma_wait3A_169 : memref<100000x512xf32, #tpu.memory_space<hbm>>) dst(%arg8 : memref<64x512xf32, #tpu.memory_space<vmem>>)
      %jit3A_170 = arith.constant 2 : i32
      %div3A_171 = arith.divsi %add3A_162, %jit3A_170 : i32
      %sign3A_172 = arith.constant 0 : i32
      %sign3A_173 = arith.cmpi sgt, %add3A_162, %sign3A_172 : i32
      %sign3A_174 = arith.extui %sign3A_173 : i1 to i32
      %sign3A_175 = arith.constant 0 : i32
      %sign3A_176 = arith.cmpi slt, %add3A_162, %sign3A_175 : i32
      %sign3A_177 = arith.extui %sign3A_176 : i1 to i32
      %sign3A_178 = arith.subi %sign3A_174, %sign3A_177 : i32
      %sign3A_179 = arith.constant 0 : i32
      %sign3A_180 = arith.cmpi sgt, %jit3A_170, %sign3A_179 : i32
      %sign3A_181 = arith.extui %sign3A_180 : i1 to i32
      %sign3A_182 = arith.constant 0 : i32
      %sign3A_183 = arith.cmpi slt, %jit3A_170, %sign3A_182 : i32
      %sign3A_184 = arith.extui %sign3A_183 : i1 to i32
      %sign3A_185 = arith.subi %sign3A_181, %sign3A_184 : i32
      %ne3A_186 = arith.cmpi ne, %sign3A_178, %sign3A_185 : i32
      %rem3A_187 = arith.remsi %add3A_162, %jit3A_170 : i32
      %ne3A_188 = arith.constant 0 : i32
      %ne3A_189 = arith.cmpi ne, %rem3A_187, %ne3A_188 : i32
      %and3A_190 = arith.andi %ne3A_186, %ne3A_189 : i1
      %sub3A_191 = arith.constant 1 : i32
      %sub3A_192 = arith.subi %div3A_171, %sub3A_191 : i32
      %select_n3A_193 = arith.select %and3A_190, %sub3A_192, %div3A_171 : i32
      %jit3A_194 = arith.constant 2 : i32
      %eq3A_195 = arith.constant 0 : i32
      %eq3A_196 = arith.cmpi eq, %jit3A_194, %eq3A_195 : i32
      %jit3A_197 = arith.constant 1 : i32
      %select_n3A_198 = arith.select %eq3A_196, %jit3A_197, %jit3A_194 : i32
      %rem3A_199 = arith.remsi %add3A_162, %select_n3A_198 : i32
      %ne3A_200 = arith.constant 0 : i32
      %ne3A_201 = arith.cmpi ne, %rem3A_199, %ne3A_200 : i32
      %lt3A_202 = arith.constant 0 : i32
      %lt3A_203 = arith.cmpi slt, %rem3A_199, %lt3A_202 : i32
      %lt3A_204 = arith.constant 0 : i32
      %lt3A_205 = arith.cmpi slt, %select_n3A_198, %lt3A_204 : i32
      %ne3A_206 = arith.xori %lt3A_203, %lt3A_205 : i1
      %and3A_207 = arith.andi %ne3A_206, %ne3A_201 : i1
      %add3A_208 = arith.addi %rem3A_199, %select_n3A_198 : i32
      %select_n3A_209 = arith.select %and3A_207, %add3A_208, %rem3A_199 : i32
      %mul3A_210 = arith.constant 4096 : i32
      %mul3A_211 = arith.muli %select_n3A_193, %mul3A_210 : i32
      %add3A_212 = arith.addi %mul3A_211, %mul3A_2 : i32
      %mul3A_213 = arith.constant 64 : i32
      %mul3A_214 = arith.muli %select_n3A_209, %mul3A_213 : i32
      %add3A_215 = arith.addi %add3A_212, %mul3A_214 : i32
      %dma_start3A_216 = arith.constant 0 : i32
      %dma_start3A_217 = tpu.memref_slice %arg4[%add3A_215, %dma_start3A_216] : memref<122880x512xf32, #tpu.memory_space<hbm>> -> memref<64x512xf32, #tpu.memory_space<hbm>>
      %dma_start3A_218 = arith.constant 0 : i32
      %dma_start3A_219 = tpu.memref_slice %arg4[%add3A_215, %dma_start3A_218] : memref<122880x512xf32, #tpu.memory_space<hbm>> -> memref<64x512xf32, #tpu.memory_space<hbm>>
      tpu.enqueue_dma source(%arg8 : memref<64x512xf32, #tpu.memory_space<vmem>>) target(%dma_start3A_219 : memref<64x512xf32, #tpu.memory_space<hbm>>) target_semaphore(%arg14 : memref<!tpu.dma_semaphore, #tpu.memory_space<semaphore_mem>>)
      %add3A_220 = arith.constant 2 : i32
      %add3A_221 = arith.addi %add3A_162, %add3A_220 : i32
      %lt3A_222 = arith.constant 60 : i32
      %lt3A_223 = arith.cmpi slt, %add3A_221, %lt3A_222 : i32
      %convert_element_type3A_224 = arith.extui %lt3A_223 : i1 to i32
      %cond3A_225 = arith.constant 0 : i32
      %cond3A_226 = arith.cmpi ne, %convert_element_type3A_224, %cond3A_225 : i32
      scf.if %cond3A_226 {
        %ge3A = arith.constant 3 : i32
        %ge3A_228 = arith.cmpi sge, %add3A_221, %ge3A : i32
        %convert_element_type3A_229 = arith.extui %ge3A_228 : i1 to i32
        %cond3A_230 = arith.constant 0 : i32
        %cond3A_231 = arith.cmpi ne, %convert_element_type3A_229, %cond3A_230 : i32
        scf.if %cond3A_231 {
          %dma_wait3A_279 = arith.constant 0 : i32
          %dma_wait3A_280 = tpu.memref_slice %arg4[%mul3A_2, %dma_wait3A_279] : memref<122880x512xf32, #tpu.memory_space<hbm>> -> memref<64x512xf32, #tpu.memory_space<hbm>>
          %dma_wait3A_281 = arith.constant 0 : i32
          %dma_wait3A_282 = tpu.memref_slice %arg4[%mul3A_2, %dma_wait3A_281] : memref<122880x512xf32, #tpu.memory_space<hbm>> -> memref<64x512xf32, #tpu.memory_space<hbm>>
          tpu.wait_dma2 semaphore(%arg13 : memref<!tpu.dma_semaphore, #tpu.memory_space<semaphore_mem>>) src(%arg7 : memref<64x512xf32, #tpu.memory_space<vmem>>) dst(%dma_wait3A_282 : memref<64x512xf32, #tpu.memory_space<hbm>>)
        } else {
        }
        %jit3A_232 = arith.constant 2 : i32
        %div3A_233 = arith.divsi %add3A_221, %jit3A_232 : i32
        %sign3A_234 = arith.constant 0 : i32
        %sign3A_235 = arith.cmpi sgt, %add3A_221, %sign3A_234 : i32
        %sign3A_236 = arith.extui %sign3A_235 : i1 to i32
        %sign3A_237 = arith.constant 0 : i32
        %sign3A_238 = arith.cmpi slt, %add3A_221, %sign3A_237 : i32
        %sign3A_239 = arith.extui %sign3A_238 : i1 to i32
        %sign3A_240 = arith.subi %sign3A_236, %sign3A_239 : i32
        %sign3A_241 = arith.constant 0 : i32
        %sign3A_242 = arith.cmpi sgt, %jit3A_232, %sign3A_241 : i32
        %sign3A_243 = arith.extui %sign3A_242 : i1 to i32
        %sign3A_244 = arith.constant 0 : i32
        %sign3A_245 = arith.cmpi slt, %jit3A_232, %sign3A_244 : i32
        %sign3A_246 = arith.extui %sign3A_245 : i1 to i32
        %sign3A_247 = arith.subi %sign3A_243, %sign3A_246 : i32
        %ne3A_248 = arith.cmpi ne, %sign3A_240, %sign3A_247 : i32
        %rem3A_249 = arith.remsi %add3A_221, %jit3A_232 : i32
        %ne3A_250 = arith.constant 0 : i32
        %ne3A_251 = arith.cmpi ne, %rem3A_249, %ne3A_250 : i32
        %and3A_252 = arith.andi %ne3A_248, %ne3A_251 : i1
        %sub3A_253 = arith.constant 1 : i32
        %sub3A_254 = arith.subi %div3A_233, %sub3A_253 : i32
        %select_n3A_255 = arith.select %and3A_252, %sub3A_254, %div3A_233 : i32
        %jit3A_256 = arith.constant 2 : i32
        %eq3A_257 = arith.constant 0 : i32
        %eq3A_258 = arith.cmpi eq, %jit3A_256, %eq3A_257 : i32
        %jit3A_259 = arith.constant 1 : i32
        %select_n3A_260 = arith.select %eq3A_258, %jit3A_259, %jit3A_256 : i32
        %rem3A_261 = arith.remsi %add3A_221, %select_n3A_260 : i32
        %ne3A_262 = arith.constant 0 : i32
        %ne3A_263 = arith.cmpi ne, %rem3A_261, %ne3A_262 : i32
        %lt3A_264 = arith.constant 0 : i32
        %lt3A_265 = arith.cmpi slt, %rem3A_261, %lt3A_264 : i32
        %lt3A_266 = arith.constant 0 : i32
        %lt3A_267 = arith.cmpi slt, %select_n3A_260, %lt3A_266 : i32
        %ne3A_268 = arith.xori %lt3A_265, %lt3A_267 : i1
        %and3A_269 = arith.andi %ne3A_268, %ne3A_263 : i1
        %add3A_270 = arith.addi %rem3A_261, %select_n3A_260 : i32
        %select_n3A_271 = arith.select %and3A_269, %add3A_270, %rem3A_261 : i32
        %mul3A_272 = arith.constant 64 : i32
        %mul3A_273 = arith.muli %select_n3A_271, %mul3A_272 : i32
        %dma_start3A_274 = tpu.memref_slice %arg5[%select_n3A_255, %mul3A_273] : memref<30x128xi32, #tpu.memory_space<vmem>> -> memref<1x64xi32, #tpu.memory_space<vmem>>
        %dma_start3A_275 = tpu.memref_squeeze %dma_start3A_274 : memref<1x64xi32, #tpu.memory_space<vmem>> -> memref<64xi32, #tpu.memory_space<vmem>>
        %dma_start3A_276 = arith.constant 0 : i32
        %dma_start3A_277 = arith.constant 0 : i32
        %dma_start3A_278 = tpu.memref_slice %arg3[%dma_start3A_276, %dma_start3A_277] : memref<100000x512xf32, #tpu.memory_space<hbm>> -> memref<100000x512xf32, #tpu.memory_space<hbm>>
        tpu.enqueue_indirect_dma source(%dma_start3A_278 : memref<100000x512xf32, #tpu.memory_space<hbm>>) target(%arg7 : memref<64x512xf32, #tpu.memory_space<vmem>>) offsets(%dma_start3A_275 : memref<64xi32, #tpu.memory_space<vmem>>) semaphore(%arg10 : memref<!tpu.dma_semaphore, #tpu.memory_space<semaphore_mem>>)
      } else {
      }
      %scan3A_227 = arith.constant 0 : i32
      scf.yield %scan3A_227 : i32
    }
    %scan3A_21 = arith.constant 20 : i32
    %dma_wait3A = arith.constant 0 : i32
    %dma_wait3A_22 = tpu.memref_slice %arg4[%mul3A_2, %dma_wait3A] : memref<122880x512xf32, #tpu.memory_space<hbm>> -> memref<64x512xf32, #tpu.memory_space<hbm>>
    %dma_wait3A_23 = arith.constant 0 : i32
    %dma_wait3A_24 = tpu.memref_slice %arg4[%mul3A_2, %dma_wait3A_23] : memref<122880x512xf32, #tpu.memory_space<hbm>> -> memref<64x512xf32, #tpu.memory_space<hbm>>
    tpu.wait_dma2 semaphore(%arg12 : memref<!tpu.dma_semaphore, #tpu.memory_space<semaphore_mem>>) src(%arg6 : memref<64x512xf32, #tpu.memory_space<vmem>>) dst(%dma_wait3A_24 : memref<64x512xf32, #tpu.memory_space<hbm>>)
    %dma_wait3A_25 = arith.constant 0 : i32
    %dma_wait3A_26 = tpu.memref_slice %arg4[%mul3A_2, %dma_wait3A_25] : memref<122880x512xf32, #tpu.memory_space<hbm>> -> memref<64x512xf32, #tpu.memory_space<hbm>>
    %dma_wait3A_27 = arith.constant 0 : i32
    %dma_wait3A_28 = tpu.memref_slice %arg4[%mul3A_2, %dma_wait3A_27] : memref<122880x512xf32, #tpu.memory_space<hbm>> -> memref<64x512xf32, #tpu.memory_space<hbm>>
    tpu.wait_dma2 semaphore(%arg13 : memref<!tpu.dma_semaphore, #tpu.memory_space<semaphore_mem>>) src(%arg7 : memref<64x512xf32, #tpu.memory_space<vmem>>) dst(%dma_wait3A_28 : memref<64x512xf32, #tpu.memory_space<hbm>>)
    %dma_wait3A_29 = arith.constant 0 : i32
    %dma_wait3A_30 = tpu.memref_slice %arg4[%mul3A_2, %dma_wait3A_29] : memref<122880x512xf32, #tpu.memory_space<hbm>> -> memref<64x512xf32, #tpu.memory_space<hbm>>
    %dma_wait3A_31 = arith.constant 0 : i32
    %dma_wait3A_32 = tpu.memref_slice %arg4[%mul3A_2, %dma_wait3A_31] : memref<122880x512xf32, #tpu.memory_space<hbm>> -> memref<64x512xf32, #tpu.memory_space<hbm>>
    tpu.wait_dma2 semaphore(%arg14 : memref<!tpu.dma_semaphore, #tpu.memory_space<semaphore_mem>>) src(%arg8 : memref<64x512xf32, #tpu.memory_space<vmem>>) dst(%dma_wait3A_32 : memref<64x512xf32, #tpu.memory_space<hbm>>)
    return
  }
}

</mosaic_0001>

<sc_bundles>
// kernel: _gather.3.cloned.1.call-start
scs
__scs_entry_jumppad:
0x0: {  	(pc) =	sbr.rel $0x88, $3  }
0x1: {  	(tag) =	ssettag $0x0;
	lr =	simm.s32 $0x1  }
0x2: {  	[smem:$0x3F9F] =	sst lr;
	_ =	strace $0xD0000000  }
0x3: {  	_ = 	snop  }
0x4: {  	_ = 	snop  }
0x5: {  	_ = 	snop  }
0x6: {  	_ = 	snop  }
0x7: {  	_ = 	snop  }
__scs_overlays_trampoline_lowered:
0x8: {  	[smem:$0x3FAE] =	sst s0  }
0x9: {  	[smem:$0x3FAF] =	sst s1  }
0xa: {  	[smem:$0x3FB0] =	sst s2  }
0xb: {  	[smem:$0x3FB1] =	sst s3  }
0xc: {  	[smem:$0x3FB2] =	sst s4  }
0xd: {  	[smem:$0x3FB3] =	sst s5  }
0xe: {  	[smem:$0x3FB4] =	sst s6  }
0xf: {  	[smem:$0x3FB5] =	sst s7  }
0x10: {  	[smem:$0x3FB6] =	sst s8  }
0x11: {  	[smem:$0x3FB7] =	sst s9;
	s0 =	simm.s32 @!p0 $0x0  }
0x12: {  	s1 =	sld [smem:$0x3F9D];
	s0 =	simm.s32 @p0 $0x1  }
0x13: {  	[smem:$0x3FB8] =	sst s0;
	s0 =	simm.s32 @!p1 $0x0  }
0x14: {  	s2 =	sld [smem:$0x3F9C];
	s0 =	simm.s32 @p1 $0x1  }
0x15: {  	[smem:$0x3FB9] =	sst s0;
	s0 =	simm.s32 @!p2 $0x0  }
0x16: {  	s3 =	sld [smem:$0x3FDB];
	s0 =	simm.s32 @p2 $0x1  }
0x17: {  	s4 =	simm.s32 $0x1BF5;
	[smem:$0x3FBB] =	sst s0  }
0x18: {  	s0 =	sld [smem:$0x3F9E];
	_ =	swait.ge [sflag:s4], $0x0  }
0x19: {  	s7 =	sld [smem:$0x3F9F]  }
0x1a: {  	s8 =	sadd.s32 $0xFFFFE003, lr  }
0x1b: {  	s9 =	sadd.s32 $0xFFFFFEF7, lr;
	s5 =	simm.s32 $0xFFFFFFFF;
	p2 =	slt.u32 s8, $0xFFFFF086  }
0x1c: {  	p1 =	slt.u32 s9, $0xF7A;
	s5 =	simm.s32 @!p2 $0x0  }
0x1d: {  	s5 =	simm.s32 @p1 $0x1;
	p0 =	seq.s32 s7, s2  }
0x1e: {  	s7 =	smul.u32 @!p0 $0xF7A, s2;
	p2 =	seq.s32 @!p0 s5, $0x0  }
0x1f: {  	s9 =	smul.u32 $0xF7A, s1;
	s8 =	simm.s32 @!p0 $0x1BF5;
	p2 =	por !p2, p0  }
0x20: {  	[sflag:s8] =	ssyncset.s32 @!p0 $0xFFFFF086;
	s6 =	sadd.s32 @!p0 s3, s7;
	s7 =	simm.s32 @!p0 $0x108  }
0x21: {  	s3 =	sadd.s32 s3, s9;
	s6 =	sadd.s32 @!p0 $0x88, s6;
	s7 =	simm.s32 @p2 $0x1082  }
0x22: {  	[simem:s7], [sflag:s8] =	dma.local @!p0 [hbm:s6], $0xF7A  }
0x23: {  	s9 =	sor.u32 $0xD0000000, s2;
	s6 =	simm.s32 $0x108;
	_ =	swait.ge @!p0 [sflag:s8], $0x0  }
0x24: {  	s3 =	sadd.s32 $0x88, s3;
	s6 =	simm.s32 @!p1 $0x1082;
	[sflag:s4] =	ssyncset.s32 $0xFFFFF086  }
0x25: {  	[simem:s6], [sflag:s4] =	dma.local [hbm:s3], $0xF7A  }
0x26: {  	[smem:$0x3F9F] =	sst s1;
	(tag) =	ssettag s2;
	_ =	strace s9  }
0x27: {  	s1 =	sld [smem:$0x3FAF]  }
0x28: {  	s2 =	sld [smem:$0x3FB0]  }
0x29: {  	s4 =	sld [smem:$0x3FB2]  }
0x2a: {  	p0 =	seq.s32 s5, $0x0;
	s5 =	sld [smem:$0x3FB3]  }
0x2b: {  	s6 =	sld [smem:$0x3FB4]  }
0x2c: {  	s7 =	sld [smem:$0x3FB5]  }
0x2d: {  	s3 =	simm.s32 $0x108;
	s8 =	sld [smem:$0x3FB6]  }
0x2e: {  	s3 =	simm.s32 @!p0 $0x1082;
	s9 =	sld [smem:$0x3FB7]  }
0x2f: {  	lr =	sadd.s32 s0, s3;
	s0 =	sld [smem:$0x3FAE]  }
0x30: {  	s3 =	sld [smem:$0x3FB1]  }
0x31: {  	[smem:$0x3FBA] =	sst s10  }
0x32: {  	s10 =	sld [smem:$0x3FB8];
	_ =	sdelay $0x3  }
0x33: {  	p0 =	seq.s32 s10, $0x1;
	s10 =	sld [smem:$0x3FBA];
	_ =	sdelay $0x3  }
0x34: {  	[smem:$0x3FBA] =	sst s10  }
0x35: {  	s10 =	sld [smem:$0x3FB9];
	_ =	sdelay $0x3  }
0x36: {  	p1 =	seq.s32 s10, $0x1;
	s10 =	sld [smem:$0x3FBA];
	_ =	sdelay $0x3  }
0x37: {  	[smem:$0x3FBA] =	sst s10  }
0x38: {  	s10 =	sld [smem:$0x3FBB]  }
0x39: {  	_ = 	snop;
	(pc) =	sbr.ind lr, $3  }
0x3a: {  	_ = 	snop  }
0x3b: {  	_ = 	snop  }
0x3c: {  	p2 =	seq.s32 s10, $0x1;
	s10 =	sld [smem:$0x3FBA]  }
0x3d: {  	_ =	shalt  }
0x3e: {  	_ =	shalt  }
0x3f: {  	_ =	shalt  }
0x40: {  	_ =	shalt  }
0x41: {  	_ =	shalt  }
0x42: {  	_ =	shalt  }
0x43: {  	_ =	shalt  }
0x44: {  	_ =	shalt  }
0x45: {  	_ =	shalt  }
0x46: {  	_ =	shalt  }
0x47: {  	_ =	shalt  }
0x48: {  	_ =	shalt  }
0x49: {  	_ =	shalt  }
0x4a: {  	_ =	shalt  }
0x4b: {  	_ =	shalt  }
0x4c: {  	_ =	shalt  }
0x4d: {  	_ =	shalt  }
0x4e: {  	_ =	shalt  }
0x4f: {  	_ =	shalt  }
0x50: {  	_ =	shalt  }
0x51: {  	_ =	shalt  }
0x52: {  	_ =	shalt  }
0x53: {  	_ =	shalt  }
0x54: {  	_ =	shalt  }
0x55: {  	_ =	shalt  }
0x56: {  	_ =	shalt  }
0x57: {  	_ =	shalt  }
0x58: {  	_ =	shalt  }
0x59: {  	_ =	shalt  }
0x5a: {  	_ =	shalt  }
0x5b: {  	_ =	shalt  }
0x5c: {  	_ =	shalt  }
0x5d: {  	_ =	shalt  }
0x5e: {  	_ =	shalt  }
0x5f: {  	_ =	shalt  }
0x60: {  	_ =	shalt  }
0x61: {  	_ =	shalt  }
0x62: {  	_ =	shalt  }
0x63: {  	_ =	shalt  }
0x64: {  	_ =	shalt  }
0x65: {  	_ =	shalt  }
0x66: {  	_ =	shalt  }
0x67: {  	_ =	shalt  }
0x68: {  	_ =	shalt  }
0x69: {  	_ =	shalt  }
0x6a: {  	_ =	shalt  }
0x6b: {  	_ =	shalt  }
0x6c: {  	_ =	shalt  }
0x6d: {  	_ =	shalt  }
0x6e: {  	_ =	shalt  }
0x6f: {  	_ =	shalt  }
0x70: {  	_ =	shalt  }
0x71: {  	_ =	shalt  }
0x72: {  	_ =	shalt  }
0x73: {  	_ =	shalt  }
0x74: {  	_ =	shalt  }
0x75: {  	_ =	shalt  }
0x76: {  	_ =	shalt  }
0x77: {  	_ =	shalt  }
0x78: {  	_ =	shalt  }
0x79: {  	_ =	shalt  }
0x7a: {  	_ =	shalt  }
0x7b: {  	_ =	shalt  }
0x7c: {  	_ =	shalt  }
0x7d: {  	_ =	shalt  }
0x7e: {  	_ =	shalt  }
0x7f: {  	_ =	shalt  }
0x80: {  	_ =	shalt  }
0x81: {  	_ =	shalt  }
0x82: {  	_ =	shalt  }
0x83: {  	_ =	shalt  }
0x84: {  	_ =	shalt  }
0x85: {  	_ =	shalt  }
0x86: {  	_ =	shalt  }
0x87: {  	_ =	shalt  }
.Lfunc_end0:
.L_simem_size_0:
called_computation_lowered:
.L_overlay_start_0:
0x88: {  	s2 =	sld [smem:$0x3FD9]  }
0x89: {  	s3 =	sld [smem:$0x3FFE];
	_ =	sdelay $0x1  }
0x8a: {  	s1 =	srdreg.scid  }
0x8b: {  	s0 =	sand.u32 $0x1, s1  }
0x8c: {  	s18 =	sshll.u32 s0, $0xA;
	s2 =	sadd.s32 s3, s2  }
0x8d: {  	s2 =	sadd.s32 s2, s18  }
0x8e: {  	[smem:$0x3FC6] =	sst s2  }
0x8f: {  	_ = 	snop  }
0x90: {  	s2 =	sld [smem:$0x3FC9]  }
0x91: {  	s19 =	sld [smem:$0x3FC8]  }
0x92: {  	s4 =	sld [smem:$0x3FD0];
	(tm) =	ssettm $0x1  }
0x93: {  	s5 =	sld [smem:$0x3FFB];
	_ =	sdelay $0x3  }
0x94: {  	_ =	strace s5  }
0x95: {  	s5 =	sld [smem:$0x3FFC];
	_ =	sdelay $0x3  }
0x96: {  	_ =	strace s5  }
0x97: {  	s5 =	sld [smem:$0x3FFD];
	_ =	sdelay $0x3  }
0x98: {  	_ =	strace s5  }
0x99: {  	_ =	strace $0x8FFFFFFF  }
0x9a: {  	s20 =	sld [smem:$0x3FDB];
	_ =	sdelay $0x1  }
0x9b: {  	s6 =	simm.s32 $_scs_section_size  }
0x9c: {  	s7 =	simm.s32 $_size__tile_overlayer_lowered;
	s8 =	simm.s32 $_tile_overlayer_lowered  }
0x9d: {  	s23 =	simm.s32 $0x1BFF;
	s22 =	sshll.u32 s8, $0x1;
	s5 =	sadd.s32 s6, s20  }
0x9e: {  	s9 =	simm.s32 $0x0;
	s21 =	sshll.u32 s7, $0x1;
	s7 =	sadd.s32 s22, s5  }
0x9f: {  	[timem:s9], [sflag:s23] =	dma.local [hbm:s7], s21  }
0xa0: {  	_ =	swait.ge [sflag:s23], s21  }
0xa1: {  	s6 =	ssub.s32 $0x0, s21;
	[sflag:s23] =	ssyncset.done $0x0  }
0xa2: {  	[sflag:s23] =	ssyncadd.s32 s6;
	_ =	sdelay $0x1  }
0xa3: {  	s24 =	simm.s32 $0x1B8B  }
0xa4: {  	_ =	swait.ge [sflag:s24], $0x1  }
0xa5: {  	[sflag:s24] =	ssyncset.done $0x0  }
0xa6: {  	s25 =	simm.s32 $0x1B8E;
	[sflag:s24] =	ssyncadd.s32 $0xFFFFFFFF  }
0xa7: {  	s26 =	simm.s32 $execute0_lowered;
	[smem:$0x3FD2] =	sst s25  }
0xa8: {  	s6 =	sshll.u32 s26, $0x1;
	_ =	strace $0x80000046;
	[dreg:$0x1] =	wrdreg $0xFFFFFFFF  }
0xa9: {  	s28 =	simm.s32 $_size_execute0_lowered;
	s5 =	sadd.s32 s5, s6;
	[dreg:$0x0] =	wrdreg $0x0  }
0xaa: {  	s6 =	sshll.u32 s28, $0x1;
	[dreg:$0x2] =	wrdreg s5  }
0xab: {  	[dreg:$0x3] =	wrdreg s6  }
0xac: {  	[dreg:$0x4] =	wrdreg $0xC0  }
0xad: {  	_ =	task [dreg:s9], $0x5FFFF  }
0xae: {  	[dreg:$0x1] =	wrdreg $0xFFFFFFFF  }
0xaf: {  	[dreg:$0x0] =	wrdreg $0x60  }
0xb0: {  	[dreg:$0x2] =	wrdreg s2  }
0xb1: {  	[dreg:$0x3] =	wrdreg s19  }
0xb2: {  	[dreg:$0x4] =	wrdreg s4  }
0xb3: {  	[dreg:$0x5] =	wrdreg $0x9  }
0xb4: {  	_ =	task.clear_ibuf [dreg:s9], $0x6FFFF;
	_ =	strace $0x90000046  }
0xb5: {  	s29 =	simm.s32 $0x9;
	_ =	strace $0x80000048  }
0xb6: {  	_ =	swait.ge [sflag:s29], $0x1  }
0xb7: {  	[sflag:s29] =	ssyncadd.s32 $0xFFFFFFFF  }
0xb8: {  	_ =	strace $0x90000048  }
0xb9: {  	_ =	sfence  }
0xba: {  	s30 =	sld [smem:$0x0];
	_ =	sdelay $0x2  }
0xbb: {  	s31 =	sshll.u32 s1, $0xD;
	s1 =	sshrl.u32 s1, $0x2  }
0xbc: {  	s3 =	sand.u32 $0x4000, s31;
	s1 =	sadd.s32 s1, s30  }
0xbd: {  	s0 =	sor.u32 s3, s0;
	s1 =	sshll.u32 s1, $0x11  }
0xbe: {  	s0 =	sor.u32 s1, s0  }
0xbf: {  	s0 =	sadd.s32 $0x8F2B, s0  }
0xc0: {  	[sflag:s0] =	ssyncadd.remote.s32 $0x1  }
0xc1: {  	_ =	sfence.sel $0xFFFF  }
0xc2: {  	[dreg:$0x0] =	wrdreg $0xFFFFFFFF;
	(pc) =	sbr.abs _section_cstart, $3  }
0xc3: {  	[dreg:$0x1] =	wrdreg $0xFFFFFFFF  }
0xc4: {  	_ =	task.clear_ibuf [dreg:s9], $0x2FFFF;
	_ =	strace $0x9FFFFFFF  }
0xc5: {  	(tm) =	ssettm $0x7FFFFFFF  }
tec
execute0_lowered:
.L_overlay_start_1:
0x0: {  	(tag) =	ssettag $0x1  }
0x1: {  	s0 =	rddreg [dreg:$0x0]  }
0x2: {  	s1 =	rddreg [dreg:$0x1]  }
0x3: {  	s3 =	rddreg [dreg:$0x2];
	s2 =	srdreg.scid  }
0x4: {  	s4 =	simm.s32 $0x0;
	s5 =	stileid.u32;
	s13 =	simm.s32 $0x1000  }
0x5: {  	s29 =	simm.s32 $0x9000;
	s20 =	simm.s32 $0x1;
	s21 =	simm.s32 $0x11000  }
0x6: {  	s28 =	simm.s32 $0x14000;
	s10 =	simm.s32 $0x14800;
	s30 =	simm.s32 $0x15000  }
0x7: {  	s31 =	simm.s32 $0x15800;
	s11 =	simm.s32 $0x17000;
	s9 =	simm.s32 $0x18000  }
0x8: {  	s12 =	simm.s32 $0x2;
	s14 =	simm.s32 $0x3;
	s15 =	simm.s32 $0x4  }
0x9: {  	s16 =	simm.s32 $0x5;
	s19 =	simm.s32 $0x0;
	s2 =	sand.u32 $0x1, s2  }
0xa: {  	s5 =	sshll.u32 s5, $0x8;
	[smem:$0x7FF] =	sst s4;
	s8 =	sadd.s32 $0x100, s1  }
0xb: {  	s6 =	ssub.s32 $0x2, s2;
	s2 =	sshll.u32 s2, $0x7;
	_ =	strace $0x80000047  }
.Ltmp0:
0xc: {  	s7 =	sshrl.u32 s6, $0x1;
	s5 =	sor.u32 s2, s5;
	(pc) =	sbr.rel .LBB2_1-.Ltmp0, $4  }
0xd: {  	s2 =	simm.s32 $0x16800;
	s25 =	ssub.s32 s6, s7;
	s0 =	sadd.s32 s0, s5  }
0xe: {  	v2 =	vlaneseq.u32;
	s7 =	simm.s32 $0x17800;
	[dreg:$0x4] =	wrdreg s0;
	s0 =	sadd.s32 $0x3000, s0  }
0xf: {  	vm0 =	vmmov $0xffff;
	v1 =	vshrl.u32 v2, $0x3;
	s6 =	simm.s32 $0x18800;
	s26 =	smax.u32 s25, $0x1;
	[dreg:$0x5] =	wrdreg s0  }
0x10: {  	v0 =	vand.u32 $0x7, v2;
	v2 =	vor.u32 $0x8, v2;
	v1 =	vmul.u32 $0x8, v1;
	[dreg:$0x6] =	wrdreg s26;
	s26 =	simm.s32 $0x13800;
	s0 =	simm.s32 $0x16000  }
.LBB2_6:
0x11: {  	_ =	swait.ge [sflag:s15], $0x8000  }
0x12: {  	[sflag:s15] =	ssyncset.done $0x0  }
0x13: {  	[sflag:s15] =	ssyncadd.s32 $0xFFFF8000  }
0x14: {  	_ =	swait.ge [sflag:s16], $0x8000  }
0x15: {  	[sflag:s16] =	ssyncset.done $0x0  }
0x16: {  	s18 =	simm.s32 $0x6;
	[sflag:s16] =	ssyncadd.s32 $0xFFFF8000  }
0x17: {  	_ =	swait.ge [sflag:s18], $0x8000  }
0x18: {  	s19 =	rddreg [dreg:$0x7]  }
0x19: {  	s17 =	rddreg [dreg:$0x6];
	s19 =	sadd.s32 $0x1, s19  }
0x1a: {  	p0 =	sne.s32 s19, s17  }
.Ltmp1:
0x1b: {  	_ = 	snop;
	(pc) =	sbr.rel @!p0 .LBB2_7-.Ltmp1, $3  }
0x1c: {  	_ =	sdelay $0x1  }
0x1d: {  	[sflag:s18] =	ssyncset.done $0x0  }
0x1e: {  	[sflag:s18] =	ssyncadd.s32 $0xFFFF8000  }
.LBB2_1:
0x1f: {  	[dreg:$0x7] =	wrdreg s19  }
0x20: {  	s17 =	simm.s32 $0x400;
	s18 =	rddreg [dreg:$0x4];
	s19 =	simm.s32 $0x8000  }
0x21: {  	[tilespmem:s4], [sflag:$0x7] =	stream.strided.gather [hbm4b:s18+s17], $0xC00, s19, s17, $0x38;
	[tilespmem:$0x19000] =	vst v63  }
0x22: {  	s25 =	rddreg [dreg:$0x5];
	s22 =	simm.s32 $0xC00;
	s23 =	simm.s32 $0x7  }
0x23: {  	[tilespmem:s22], [sflag:$0x7] =	stream.linear.gather [hbm4b:s25+s4], $0x300, $0x38;
	[tilespmem:$0x19000] =	vst v63  }
0x24: {  	_ =	swait.ge [sflag:s23], $0xF00  }
0x25: {  	[sflag:s23] =	ssyncset.done $0x0  }
0x26: {  	[sflag:s23] =	ssyncadd.s32 $0xFFFFF100  }
0x27: {  	v3 =	vld [tilespmem:$0x0];
	_ =	sdelay $0x4  }
0x28: {  	v4 =	vshll.u32 v3, $0x2  }
0x29: {  	v3 =	vand.u32 $0x7, v3;
	v4 =	vand.u32 $0xFFFFFFE0, v4  }
0x2a: {  	v3 =	vor.u32 v3, v4  }
0x2b: {  	v4 =	vperm.xlane v3, v0;
	_ =	sdelay $0x1  }
0x2c: {  	v4 =	vadd.s32 v1, v4;
	_ =	sdelay $0x1  }
0x2d: {  	v3 =	vperm.xlane v3, v2;
	_ =	sdelay $0x1  }
0x2e: {  	v3 =	vadd.s32 v1, v3  }
0x2f: {  	[tilespmem:s13], [sflag:$0x1] =	stream.indirect_vreg.gather [hbm4b:s1+s4], $0x80, v4, vm0, $0xb8;
	[tilespmem:$0x19000] =	vst v63  }
0x30: {  	s24 =	simm.s32 $0x1800  }
0x31: {  	[tilespmem:s24], [sflag:$0x1] =	stream.indirect_vreg.gather [hbm4b:s8+s4], $0x80, v4, vm0, $0xb8;
	[tilespmem:$0x19000] =	vst v63  }
0x32: {  	s25 =	simm.s32 $0x2000  }
0x33: {  	[tilespmem:s25], [sflag:$0x1] =	stream.indirect_vreg.gather [hbm4b:s1+s4], $0x80, v3, vm0, $0xb8;
	[tilespmem:$0x19000] =	vst v63  }
0x34: {  	s22 =	simm.s32 $0x2800  }
0x35: {  	[tilespmem:s22], [sflag:$0x1] =	stream.indirect_vreg.gather [hbm4b:s8+s4], $0x80, v3, vm0, $0xb8;
	[tilespmem:$0x19000] =	vst v63  }
0x36: {  	v3 =	vld [tilespmem:$0x10];
	_ =	sdelay $0x4  }
0x37: {  	v57 =	vshll.u32 v3, $0x2  }
0x38: {  	v3 =	vand.u32 $0x7, v3;
	v4 =	vand.u32 $0xFFFFFFE0, v57  }
0x39: {  	v3 =	vor.u32 v3, v4  }
0x3a: {  	v4 =	vperm.xlane v3, v0;
	_ =	sdelay $0x1  }
0x3b: {  	v4 =	vadd.s32 v1, v4;
	_ =	sdelay $0x1  }
0x3c: {  	v3 =	vperm.xlane v3, v2;
	_ =	sdelay $0x1  }
0x3d: {  	s23 =	simm.s32 $0x3000;
	v3 =	vadd.s32 v1, v3  }
0x3e: {  	[tilespmem:s23], [sflag:$0x1] =	stream.indirect_vreg.gather [hbm4b:s1+s4], $0x80, v4, vm0, $0xb8;
	[tilespmem:$0x19000] =	vst v63  }
0x3f: {  	s24 =	simm.s32 $0x3800  }
0x40: {  	[tilespmem:s24], [sflag:$0x1] =	stream.indirect_vreg.gather [hbm4b:s8+s4], $0x80, v4, vm0, $0xb8;
	[tilespmem:$0x19000] =	vst v63  }
0x41: {  	s25 =	simm.s32 $0x4000  }
0x42: {  	[tilespmem:s25], [sflag:$0x1] =	stream.indirect_vreg.gather [hbm4b:s1+s4], $0x80, v3, vm0, $0xb8;
	[tilespmem:$0x19000] =	vst v63  }
0x43: {  	s22 =	simm.s32 $0x4800  }
0x44: {  	[tilespmem:s22], [sflag:$0x1] =	stream.indirect_vreg.gather [hbm4b:s8+s4], $0x80, v3, vm0, $0xb8;
	[tilespmem:$0x19000] =	vst v63  }
0x45: {  	v3 =	vld [tilespmem:$0x20];
	_ =	sdelay $0x4  }
0x46: {  	v58 =	vshll.u32 v3, $0x2  }
0x47: {  	v3 =	vand.u32 $0x7, v3;
	v4 =	vand.u32 $0xFFFFFFE0, v58  }
0x48: {  	v3 =	vor.u32 v3, v4  }
0x49: {  	v4 =	vperm.xlane v3, v0;
	_ =	sdelay $0x1  }
0x4a: {  	v4 =	vadd.s32 v1, v4;
	_ =	sdelay $0x1  }
0x4b: {  	v3 =	vperm.xlane v3, v2;
	_ =	sdelay $0x1  }
0x4c: {  	s23 =	simm.s32 $0x5000;
	v3 =	vadd.s32 v1, v3  }
0x4d: {  	[tilespmem:s23], [sflag:$0x1] =	stream.indirect_vreg.gather [hbm4b:s1+s4], $0x80, v4, vm0, $0xb8;
	[tilespmem:$0x19000] =	vst v63  }
0x4e: {  	s24 =	simm.s32 $0x5800  }
0x4f: {  	[tilespmem:s24], [sflag:$0x1] =	stream.indirect_vreg.gather [hbm4b:s8+s4], $0x80, v4, vm0, $0xb8;
	[tilespmem:$0x19000] =	vst v63  }
0x50: {  	s25 =	simm.s32 $0x6000  }
0x51: {  	[tilespmem:s25], [sflag:$0x1] =	stream.indirect_vreg.gather [hbm4b:s1+s4], $0x80, v3, vm0, $0xb8;
	[tilespmem:$0x19000] =	vst v63  }
0x52: {  	s22 =	simm.s32 $0x6800  }
0x53: {  	[tilespmem:s22], [sflag:$0x1] =	stream.indirect_vreg.gather [hbm4b:s8+s4], $0x80, v3, vm0, $0xb8;
	[tilespmem:$0x19000] =	vst v63  }
0x54: {  	v3 =	vld [tilespmem:$0x30];
	_ =	sdelay $0x4  }
0x55: {  	v59 =	vshll.u32 v3, $0x2  }
0x56: {  	v3 =	vand.u32 $0x7, v3;
	v4 =	vand.u32 $0xFFFFFFE0, v59  }
0x57: {  	v3 =	vor.u32 v3, v4  }
0x58: {  	v4 =	vperm.xlane v3, v0;
	_ =	sdelay $0x1  }
0x59: {  	v4 =	vadd.s32 v1, v4;
	_ =	sdelay $0x1  }
0x5a: {  	v3 =	vperm.xlane v3, v2;
	_ =	sdelay $0x1  }
0x5b: {  	s23 =	simm.s32 $0x7000;
	v3 =	vadd.s32 v1, v3  }
0x5c: {  	[tilespmem:s23], [sflag:$0x1] =	stream.indirect_vreg.gather [hbm4b:s1+s4], $0x80, v4, vm0, $0xb8;
	[tilespmem:$0x19000] =	vst v63  }
0x5d: {  	s24 =	simm.s32 $0x7800  }
0x5e: {  	[tilespmem:s24], [sflag:$0x1] =	stream.indirect_vreg.gather [hbm4b:s8+s4], $0x80, v4, vm0, $0xb8;
	[tilespmem:$0x19000] =	vst v63  }
0x5f: {  	_ = 	snop  }
0x60: {  	[tilespmem:s19], [sflag:$0x1] =	stream.indirect_vreg.gather [hbm4b:s1+s4], $0x80, v3, vm0, $0xb8;
	[tilespmem:$0x19000] =	vst v63  }
0x61: {  	s25 =	simm.s32 $0x8800  }
0x62: {  	[tilespmem:s25], [sflag:$0x1] =	stream.indirect_vreg.gather [hbm4b:s8+s4], $0x80, v3, vm0, $0xb8;
	[tilespmem:$0x19000] =	vst v63  }
0x63: {  	v3 =	vld [tilespmem:$0x40];
	_ =	sdelay $0x4  }
0x64: {  	v60 =	vshll.u32 v3, $0x2  }
0x65: {  	v3 =	vand.u32 $0x7, v3;
	v4 =	vand.u32 $0xFFFFFFE0, v60  }
0x66: {  	v3 =	vor.u32 v3, v4  }
0x67: {  	v4 =	vperm.xlane v3, v0;
	_ =	sdelay $0x1  }
0x68: {  	v4 =	vadd.s32 v1, v4;
	_ =	sdelay $0x1  }
0x69: {  	v3 =	vperm.xlane v3, v2;
	_ =	sdelay $0x1  }
0x6a: {  	v3 =	vadd.s32 v1, v3  }
0x6b: {  	[tilespmem:s29], [sflag:$0x2] =	stream.indirect_vreg.gather [hbm4b:s1+s4], $0x80, v4, vm0, $0xb8;
	[tilespmem:$0x19000] =	vst v63  }
0x6c: {  	s19 =	simm.s32 $0x9800  }
0x6d: {  	[tilespmem:s19], [sflag:$0x2] =	stream.indirect_vreg.gather [hbm4b:s8+s4], $0x80, v4, vm0, $0xb8;
	[tilespmem:$0x19000] =	vst v63  }
0x6e: {  	s22 =	simm.s32 $0xA000  }
0x6f: {  	[tilespmem:s22], [sflag:$0x2] =	stream.indirect_vreg.gather [hbm4b:s1+s4], $0x80, v3, vm0, $0xb8;
	[tilespmem:$0x19000] =	vst v63  }
0x70: {  	s23 =	simm.s32 $0xA800  }
0x71: {  	[tilespmem:s23], [sflag:$0x2] =	stream.indirect_vreg.gather [hbm4b:s8+s4], $0x80, v3, vm0, $0xb8;
	[tilespmem:$0x19000] =	vst v63  }
0x72: {  	v3 =	vld [tilespmem:$0x50];
	_ =	sdelay $0x4  }
0x73: {  	v61 =	vshll.u32 v3, $0x2  }
0x74: {  	v3 =	vand.u32 $0x7, v3;
	v4 =	vand.u32 $0xFFFFFFE0, v61  }
0x75: {  	v3 =	vor.u32 v3, v4  }
0x76: {  	v4 =	vperm.xlane v3, v0;
	_ =	sdelay $0x1  }
0x77: {  	v4 =	vadd.s32 v1, v4;
	_ =	sdelay $0x1  }
0x78: {  	v3 =	vperm.xlane v3, v2;
	_ =	sdelay $0x1  }
0x79: {  	s24 =	simm.s32 $0xB000;
	v3 =	vadd.s32 v1, v3  }
0x7a: {  	[tilespmem:s24], [sflag:$0x2] =	stream.indirect_vreg.gather [hbm4b:s1+s4], $0x80, v4, vm0, $0xb8;
	[tilespmem:$0x19000] =	vst v63  }
0x7b: {  	s25 =	simm.s32 $0xB800  }
0x7c: {  	[tilespmem:s25], [sflag:$0x2] =	stream.indirect_vreg.gather [hbm4b:s8+s4], $0x80, v4, vm0, $0xb8;
	[tilespmem:$0x19000] =	vst v63  }
0x7d: {  	s19 =	simm.s32 $0xC000  }
0x7e: {  	[tilespmem:s19], [sflag:$0x2] =	stream.indirect_vreg.gather [hbm4b:s1+s4], $0x80, v3, vm0, $0xb8;
	[tilespmem:$0x19000] =	vst v63  }
0x7f: {  	s22 =	simm.s32 $0xC800  }
0x80: {  	[tilespmem:s22], [sflag:$0x2] =	stream.indirect_vreg.gather [hbm4b:s8+s4], $0x80, v3, vm0, $0xb8;
	[tilespmem:$0x19000] =	vst v63  }
0x81: {  	v3 =	vld [tilespmem:$0x60];
	_ =	sdelay $0x4  }
0x82: {  	v62 =	vshll.u32 v3, $0x2  }
0x83: {  	v3 =	vand.u32 $0x7, v3;
	v4 =	vand.u32 $0xFFFFFFE0, v62  }
0x84: {  	v3 =	vor.u32 v3, v4  }
0x85: {  	v4 =	vperm.xlane v3, v0;
	_ =	sdelay $0x1  }
0x86: {  	v4 =	vadd.s32 v1, v4;
	_ =	sdelay $0x1  }
0x87: {  	v3 =	vperm.xlane v3, v2;
	_ =	sdelay $0x1  }
0x88: {  	s23 =	simm.s32 $0xD000;
	v3 =	vadd.s32 v1, v3  }
0x89: {  	[tilespmem:s23], [sflag:$0x2] =	stream.indirect_vreg.gather [hbm4b:s1+s4], $0x80, v4, vm0, $0xb8;
	[tilespmem:$0x19000] =	vst v63  }
0x8a: {  	s24 =	simm.s32 $0xD800  }
0x8b: {  	[tilespmem:s24], [sflag:$0x2] =	stream.indirect_vreg.gather [hbm4b:s8+s4], $0x80, v4, vm0, $0xb8;
	[tilespmem:$0x19000] =	vst v63  }
0x8c: {  	s25 =	simm.s32 $0xE000  }
0x8d: {  	[tilespmem:s25], [sflag:$0x2] =	stream.indirect_vreg.gather [hbm4b:s1+s4], $0x80, v3, vm0, $0xb8;
	[tilespmem:$0x19000] =	vst v63  }
0x8e: {  	s19 =	simm.s32 $0xE800  }
0x8f: {  	[tilespmem:s19], [sflag:$0x2] =	stream.indirect_vreg.gather [hbm4b:s8+s4], $0x80, v3, vm0, $0xb8;
	[tilespmem:$0x19000] =	vst v63  }
0x90: {  	v3 =	vld [tilespmem:$0x70];
	_ =	sdelay $0x4  }
0x91: {  	v63 =	vshll.u32 v3, $0x2  }
0x92: {  	v3 =	vand.u32 $0x7, v3;
	v4 =	vand.u32 $0xFFFFFFE0, v63  }
0x93: {  	v3 =	vor.u32 v3, v4  }
0x94: {  	v4 =	vperm.xlane v3, v0;
	_ =	sdelay $0x1  }
0x95: {  	v4 =	vadd.s32 v1, v4;
	_ =	sdelay $0x1  }
0x96: {  	v3 =	vperm.xlane v3, v2;
	_ =	sdelay $0x1  }
0x97: {  	s22 =	simm.s32 $0xF000;
	v3 =	vadd.s32 v1, v3  }
0x98: {  	[tilespmem:s22], [sflag:$0x2] =	stream.indirect_vreg.gather [hbm4b:s1+s4], $0x80, v4, vm0, $0xb8;
	[tilespmem:$0x19000] =	vst v63  }
0x99: {  	s23 =	simm.s32 $0xF800  }
0x9a: {  	[tilespmem:s23], [sflag:$0x2] =	stream.indirect_vreg.gather [hbm4b:s8+s4], $0x80, v4, vm0, $0xb8;
	[tilespmem:$0x19000] =	vst v63  }
0x9b: {  	s18 =	simm.s32 $0xC0;
	s24 =	simm.s32 $0x10000  }
0x9c: {  	[tilespmem:s24], [sflag:$0x2] =	stream.indirect_vreg.gather [hbm4b:s1+s4], $0x80, v3, vm0, $0xb8;
	[tilespmem:$0x19000] =	vst v63  }
0x9d: {  	s25 =	simm.s32 $0x10800;
	s19 =	simm.s32 $0x0;
	s22 =	simm.s32 $0x0  }
0x9e: {  	[tilespmem:s25], [sflag:$0x2] =	stream.indirect_vreg.gather [hbm4b:s8+s4], $0x80, v3, vm0, $0xb8;
	[tilespmem:$0x19000] =	vst v63  }
.LBB2_2:
0x9f: {  	s23 =	sand.u32 $0x40, s19;
	s24 =	sand.u32 $0x3F000, s22  }
0xa0: {  	s24 =	sor.u32 s23, s24  }
0xa1: {  	_ =	swait.ge [sflag:s20], $0x8000;
	s24 =	sor.u32 s5, s24  }
0xa2: {  	[sflag:s20] =	ssyncset.done $0x0;
	s24 =	sshll.u32 s24, $0x6  }
0xa3: {  	p0 =	seq.s32 s17, $0x400;
	[sflag:s20] =	ssyncadd.s32 $0xFFFF8000;
	s24 =	sadd.s32 s3, s24  }
0xa4: {  	[hbm4b:s24+s4] =	stream.linear.scatter [tilespmem:s13], [sflag:$0x4], $0x8000, $0x38;
	[tilespmem:$0x19000] =	vst v63  }
0xa5: {  	s25 =	sadd.s32 $0xFFFFFE00, s17;
	s24 =	simm.s32 @!p0 $0x6  }
0xa6: {  	s25 =	sand.u32 $0xFE00, s25;
	_ =	swait.ge @!p0 [sflag:s24], $0x8000  }
0xa7: {  	s25 =	sshrl.u32 s25, $0x2;
	[sflag:s24] =	ssyncset.done @!p0 $0x0  }
0xa8: {  	[sflag:s24] =	ssyncadd.s32 @!p0 $0xFFFF8000;
	s24 =	sor.u32 s23, s25  }
0xa9: {  	v3 =	vld [tilespmem:s24+$0x0];
	_ =	sdelay $0x4  }
0xaa: {  	v4 =	vshll.u32 v3, $0x2  }
0xab: {  	v3 =	vand.u32 $0x7, v3;
	v4 =	vand.u32 $0xFFFFFFE0, v4  }
0xac: {  	v3 =	vor.u32 v3, v4  }
0xad: {  	v4 =	vperm.xlane v3, v0;
	_ =	sdelay $0x1  }
0xae: {  	v4 =	vadd.s32 v1, v4;
	_ =	sdelay $0x1  }
0xaf: {  	v3 =	vperm.xlane v3, v2;
	_ =	sdelay $0x1  }
0xb0: {  	v3 =	vadd.s32 v1, v3  }
0xb1: {  	[tilespmem:s21], [sflag:$0x3] =	stream.indirect_vreg.gather [hbm4b:s1+s4], $0x80, v4, vm0, $0xb8;
	[tilespmem:$0x19000] =	vst v63  }
0xb2: {  	s25 =	simm.s32 $0x11800  }
0xb3: {  	[tilespmem:s25], [sflag:$0x3] =	stream.indirect_vreg.gather [hbm4b:s8+s4], $0x80, v4, vm0, $0xb8;
	[tilespmem:$0x19000] =	vst v63  }
0xb4: {  	s25 =	simm.s32 $0x12000  }
0xb5: {  	[tilespmem:s25], [sflag:$0x3] =	stream.indirect_vreg.gather [hbm4b:s1+s4], $0x80, v3, vm0, $0xb8;
	[tilespmem:$0x19000] =	vst v63  }
0xb6: {  	s25 =	simm.s32 $0x12800  }
0xb7: {  	[tilespmem:s25], [sflag:$0x3] =	stream.indirect_vreg.gather [hbm4b:s8+s4], $0x80, v3, vm0, $0xb8;
	[tilespmem:$0x19000] =	vst v63  }
0xb8: {  	v3 =	vld [tilespmem:s24+$0x10];
	_ =	sdelay $0x4  }
0xb9: {  	v61 =	vshll.u32 v3, $0x2  }
0xba: {  	v3 =	vand.u32 $0x7, v3;
	v4 =	vand.u32 $0xFFFFFFE0, v61  }
0xbb: {  	v3 =	vor.u32 v3, v4  }
0xbc: {  	v4 =	vperm.xlane v3, v0;
	_ =	sdelay $0x1  }
0xbd: {  	v4 =	vadd.s32 v1, v4;
	_ =	sdelay $0x1  }
0xbe: {  	v3 =	vperm.xlane v3, v2;
	_ =	sdelay $0x1  }
0xbf: {  	s25 =	simm.s32 $0x13000;
	v3 =	vadd.s32 v1, v3  }
0xc0: {  	[tilespmem:s25], [sflag:$0x3] =	stream.indirect_vreg.gather [hbm4b:s1+s4], $0x80, v4, vm0, $0xb8;
	[tilespmem:$0x19000] =	vst v63  }
0xc1: {  	_ = 	snop  }
0xc2: {  	[tilespmem:s26], [sflag:$0x3] =	stream.indirect_vreg.gather [hbm4b:s8+s4], $0x80, v4, vm0, $0xb8;
	[tilespmem:$0x19000] =	vst v63  }
0xc3: {  	_ = 	snop  }
0xc4: {  	[tilespmem:s28], [sflag:$0x3] =	stream.indirect_vreg.gather [hbm4b:s1+s4], $0x80, v3, vm0, $0xb8;
	[tilespmem:$0x19000] =	vst v63  }
0xc5: {  	_ = 	snop  }
0xc6: {  	[tilespmem:s10], [sflag:$0x3] =	stream.indirect_vreg.gather [hbm4b:s8+s4], $0x80, v3, vm0, $0xb8;
	[tilespmem:$0x19000] =	vst v63  }
0xc7: {  	v3 =	vld [tilespmem:s24+$0x20];
	_ =	sdelay $0x4  }
0xc8: {  	v62 =	vshll.u32 v3, $0x2  }
0xc9: {  	v3 =	vand.u32 $0x7, v3;
	v4 =	vand.u32 $0xFFFFFFE0, v62  }
0xca: {  	v3 =	vor.u32 v3, v4  }
0xcb: {  	v4 =	vperm.xlane v3, v0;
	_ =	sdelay $0x1  }
0xcc: {  	v4 =	vadd.s32 v1, v4;
	_ =	sdelay $0x1  }
0xcd: {  	v3 =	vperm.xlane v3, v2;
	_ =	sdelay $0x1  }
0xce: {  	v3 =	vadd.s32 v1, v3  }
0xcf: {  	[tilespmem:s30], [sflag:$0x3] =	stream.indirect_vreg.gather [hbm4b:s1+s4], $0x80, v4, vm0, $0xb8;
	[tilespmem:$0x19000] =	vst v63  }
0xd0: {  	_ = 	snop  }
0xd1: {  	[tilespmem:s31], [sflag:$0x3] =	stream.indirect_vreg.gather [hbm4b:s8+s4], $0x80, v4, vm0, $0xb8;
	[tilespmem:$0x19000] =	vst v63  }
0xd2: {  	_ = 	snop  }
0xd3: {  	[tilespmem:s0], [sflag:$0x3] =	stream.indirect_vreg.gather [hbm4b:s1+s4], $0x80, v3, vm0, $0xb8;
	[tilespmem:$0x19000] =	vst v63  }
0xd4: {  	_ = 	snop  }
0xd5: {  	[tilespmem:s2], [sflag:$0x3] =	stream.indirect_vreg.gather [hbm4b:s8+s4], $0x80, v3, vm0, $0xb8;
	[tilespmem:$0x19000] =	vst v63  }
0xd6: {  	v3 =	vld [tilespmem:s24+$0x30];
	_ =	sdelay $0x4  }
0xd7: {  	v63 =	vshll.u32 v3, $0x2  }
0xd8: {  	v3 =	vand.u32 $0x7, v3;
	v4 =	vand.u32 $0xFFFFFFE0, v63  }
0xd9: {  	v3 =	vor.u32 v3, v4  }
0xda: {  	v4 =	vperm.xlane v3, v0;
	_ =	sdelay $0x1  }
0xdb: {  	v4 =	vadd.s32 v1, v4;
	_ =	sdelay $0x1  }
0xdc: {  	v3 =	vperm.xlane v3, v2;
	_ =	sdelay $0x1  }
0xdd: {  	v3 =	vadd.s32 v1, v3  }
0xde: {  	[tilespmem:s11], [sflag:$0x3] =	stream.indirect_vreg.gather [hbm4b:s1+s4], $0x80, v4, vm0, $0xb8;
	[tilespmem:$0x19000] =	vst v63  }
0xdf: {  	_ = 	snop  }
0xe0: {  	[tilespmem:s7], [sflag:$0x3] =	stream.indirect_vreg.gather [hbm4b:s8+s4], $0x80, v4, vm0, $0xb8;
	[tilespmem:$0x19000] =	vst v63  }
0xe1: {  	s25 =	sadd.s32 $0x800, s22;
	s24 =	sadd.s32 $0xFFFFFF80, s18  }
0xe2: {  	[tilespmem:s9], [sflag:$0x3] =	stream.indirect_vreg.gather [hbm4b:s1+s4], $0x80, v3, vm0, $0xb8;
	[tilespmem:$0x19000] =	vst v63  }
0xe3: {  	p0 =	seq.s32 s17, $0x3D00;
	s25 =	sand.u32 $0x7F000, s25;
	s24 =	sand.u32 $0x40, s24  }
0xe4: {  	[tilespmem:s6], [sflag:$0x3] =	stream.indirect_vreg.gather [hbm4b:s8+s4], $0x80, v3, vm0, $0xb8;
	[tilespmem:$0x19000] =	vst v63  }
.Ltmp2:
0xe5: {  	s24 =	sor.u32 s24, s25;
	(pc) =	sbr.rel @p0 .LBB2_4-.Ltmp2, $4  }
0xe6: {  	s24 =	sor.u32 s5, s24;
	_ =	swait.ge [sflag:s12], $0x8000  }
0xe7: {  	s24 =	sshll.u32 s24, $0x6;
	[sflag:s12] =	ssyncset.done $0x0  }
0xe8: {  	s24 =	sadd.s32 s3, s24;
	[sflag:s12] =	ssyncadd.s32 $0xFFFF8000  }
0xe9: {  	[hbm4b:s24+s4] =	stream.linear.scatter [tilespmem:s29], [sflag:$0x5], $0x8000, $0x38;
	[tilespmem:$0x19000] =	vst v63  }
0xea: {  	s24 =	sadd.s32 $0xFFFFFF00, s17  }
0xeb: {  	_ =	swait.ge [sflag:s15], $0x8000;
	s24 =	sand.u32 $0xFE00, s24  }
0xec: {  	s25 =	sand.u32 $0x40, s18;
	[sflag:s15] =	ssyncset.done $0x0;
	s24 =	sshrl.u32 s24, $0x2  }
0xed: {  	[sflag:s15] =	ssyncadd.s32 $0xFFFF8000;
	s24 =	sor.u32 s25, s24  }
0xee: {  	v3 =	vld [tilespmem:s24+$0x0];
	_ =	sdelay $0x4  }
0xef: {  	v4 =	vshll.u32 v3, $0x2  }
0xf0: {  	v3 =	vand.u32 $0x7, v3;
	v4 =	vand.u32 $0xFFFFFFE0, v4  }
0xf1: {  	v3 =	vor.u32 v3, v4  }
0xf2: {  	v4 =	vperm.xlane v3, v0;
	_ =	sdelay $0x1  }
0xf3: {  	v4 =	vadd.s32 v1, v4;
	_ =	sdelay $0x1  }
0xf4: {  	v3 =	vperm.xlane v3, v2;
	_ =	sdelay $0x1  }
0xf5: {  	v3 =	vadd.s32 v1, v3  }
0xf6: {  	[tilespmem:s13], [sflag:$0x1] =	stream.indirect_vreg.gather [hbm4b:s1+s4], $0x80, v4, vm0, $0xb8;
	[tilespmem:$0x19000] =	vst v63  }
0xf7: {  	s25 =	simm.s32 $0x1800  }
0xf8: {  	[tilespmem:s25], [sflag:$0x1] =	stream.indirect_vreg.gather [hbm4b:s8+s4], $0x80, v4, vm0, $0xb8;
	[tilespmem:$0x19000] =	vst v63  }
0xf9: {  	s25 =	simm.s32 $0x2000  }
0xfa: {  	[tilespmem:s25], [sflag:$0x1] =	stream.indirect_vreg.gather [hbm4b:s1+s4], $0x80, v3, vm0, $0xb8;
	[tilespmem:$0x19000] =	vst v63  }
0xfb: {  	s25 =	simm.s32 $0x2800  }
0xfc: {  	[tilespmem:s25], [sflag:$0x1] =	stream.indirect_vreg.gather [hbm4b:s8+s4], $0x80, v3, vm0, $0xb8;
	[tilespmem:$0x19000] =	vst v63  }
0xfd: {  	v3 =	vld [tilespmem:s24+$0x10];
	_ =	sdelay $0x4  }
0xfe: {  	v61 =	vshll.u32 v3, $0x2  }
0xff: {  	v3 =	vand.u32 $0x7, v3;
	v4 =	vand.u32 $0xFFFFFFE0, v61  }
0x100: {  	v3 =	vor.u32 v3, v4  }
0x101: {  	v4 =	vperm.xlane v3, v0;
	_ =	sdelay $0x1  }
0x102: {  	v4 =	vadd.s32 v1, v4;
	_ =	sdelay $0x1  }
0x103: {  	v3 =	vperm.xlane v3, v2;
	_ =	sdelay $0x1  }
0x104: {  	s25 =	simm.s32 $0x3000;
	v3 =	vadd.s32 v1, v3  }
0x105: {  	[tilespmem:s25], [sflag:$0x1] =	stream.indirect_vreg.gather [hbm4b:s1+s4], $0x80, v4, vm0, $0xb8;
	[tilespmem:$0x19000] =	vst v63  }
0x106: {  	s25 =	simm.s32 $0x3800  }
0x107: {  	[tilespmem:s25], [sflag:$0x1] =	stream.indirect_vreg.gather [hbm4b:s8+s4], $0x80, v4, vm0, $0xb8;
	[tilespmem:$0x19000] =	vst v63  }
0x108: {  	s25 =	simm.s32 $0x4000  }
0x109: {  	[tilespmem:s25], [sflag:$0x1] =	stream.indirect_vreg.gather [hbm4b:s1+s4], $0x80, v3, vm0, $0xb8;
	[tilespmem:$0x19000] =	vst v63  }
0x10a: {  	s25 =	simm.s32 $0x4800  }
0x10b: {  	[tilespmem:s25], [sflag:$0x1] =	stream.indirect_vreg.gather [hbm4b:s8+s4], $0x80, v3, vm0, $0xb8;
	[tilespmem:$0x19000] =	vst v63  }
0x10c: {  	v3 =	vld [tilespmem:s24+$0x20];
	_ =	sdelay $0x4  }
0x10d: {  	v62 =	vshll.u32 v3, $0x2  }
0x10e: {  	v3 =	vand.u32 $0x7, v3;
	v4 =	vand.u32 $0xFFFFFFE0, v62  }
0x10f: {  	v3 =	vor.u32 v3, v4  }
0x110: {  	v4 =	vperm.xlane v3, v0;
	_ =	sdelay $0x1  }
0x111: {  	v4 =	vadd.s32 v1, v4;
	_ =	sdelay $0x1  }
0x112: {  	v3 =	vperm.xlane v3, v2;
	_ =	sdelay $0x1  }
0x113: {  	s25 =	simm.s32 $0x5000;
	v3 =	vadd.s32 v1, v3  }
0x114: {  	[tilespmem:s25], [sflag:$0x1] =	stream.indirect_vreg.gather [hbm4b:s1+s4], $0x80, v4, vm0, $0xb8;
	[tilespmem:$0x19000] =	vst v63  }
0x115: {  	s25 =	simm.s32 $0x5800  }
0x116: {  	[tilespmem:s25], [sflag:$0x1] =	stream.indirect_vreg.gather [hbm4b:s8+s4], $0x80, v4, vm0, $0xb8;
	[tilespmem:$0x19000] =	vst v63  }
0x117: {  	s25 =	simm.s32 $0x6000  }
0x118: {  	[tilespmem:s25], [sflag:$0x1] =	stream.indirect_vreg.gather [hbm4b:s1+s4], $0x80, v3, vm0, $0xb8;
	[tilespmem:$0x19000] =	vst v63  }
0x119: {  	s25 =	simm.s32 $0x6800  }
0x11a: {  	[tilespmem:s25], [sflag:$0x1] =	stream.indirect_vreg.gather [hbm4b:s8+s4], $0x80, v3, vm0, $0xb8;
	[tilespmem:$0x19000] =	vst v63  }
0x11b: {  	v3 =	vld [tilespmem:s24+$0x30];
	_ =	sdelay $0x4  }
0x11c: {  	v63 =	vshll.u32 v3, $0x2  }
0x11d: {  	v3 =	vand.u32 $0x7, v3;
	v4 =	vand.u32 $0xFFFFFFE0, v63  }
0x11e: {  	v3 =	vor.u32 v3, v4  }
0x11f: {  	v4 =	vperm.xlane v3, v0;
	_ =	sdelay $0x1  }
0x120: {  	v4 =	vadd.s32 v1, v4;
	_ =	sdelay $0x1  }
0x121: {  	v3 =	vperm.xlane v3, v2;
	_ =	sdelay $0x1  }
0x122: {  	s25 =	simm.s32 $0x7000;
	v3 =	vadd.s32 v1, v3  }
0x123: {  	[tilespmem:s25], [sflag:$0x1] =	stream.indirect_vreg.gather [hbm4b:s1+s4], $0x80, v4, vm0, $0xb8;
	[tilespmem:$0x19000] =	vst v63  }
0x124: {  	s25 =	simm.s32 $0x7800  }
0x125: {  	[tilespmem:s25], [sflag:$0x1] =	stream.indirect_vreg.gather [hbm4b:s8+s4], $0x80, v4, vm0, $0xb8;
	[tilespmem:$0x19000] =	vst v63  }
0x126: {  	s25 =	simm.s32 $0x8000  }
0x127: {  	[tilespmem:s25], [sflag:$0x1] =	stream.indirect_vreg.gather [hbm4b:s1+s4], $0x80, v3, vm0, $0xb8;
	[tilespmem:$0x19000] =	vst v63  }
0x128: {  	s25 =	simm.s32 $0x8800  }
0x129: {  	[tilespmem:s25], [sflag:$0x1] =	stream.indirect_vreg.gather [hbm4b:s8+s4], $0x80, v3, vm0, $0xb8;
	[tilespmem:$0x19000] =	vst v63  }
.LBB2_4:
0x12a: {  	s24 =	sadd.s32 $0x1000, s22  }
0x12b: {  	s24 =	sand.u32 $0x7F000, s24  }
.Ltmp3:
0x12c: {  	s24 =	sor.u32 s24, s23;
	(pc) =	sbr.rel @p0 .LBB2_6-.Ltmp3, $4  }
0x12d: {  	_ =	swait.ge [sflag:s14], $0x8000;
	s24 =	sor.u32 s5, s24  }
0x12e: {  	[sflag:s14] =	ssyncset.done $0x0;
	s24 =	sshll.u32 s24, $0x6  }
0x12f: {  	[sflag:s14] =	ssyncadd.s32 $0xFFFF8000;
	s24 =	sadd.s32 s3, s24  }
0x130: {  	[hbm4b:s24+s4] =	stream.linear.scatter [tilespmem:s21], [sflag:$0x6], $0x8000, $0x38;
	[tilespmem:$0x19000] =	vst v63  }
0x131: {  	_ =	swait.ge [sflag:s16], $0x8000;
	s24 =	sand.u32 $0xFE00, s17  }
0x132: {  	[sflag:s16] =	ssyncset.done $0x0;
	s24 =	sshrl.u32 s24, $0x2  }
0x133: {  	[sflag:s16] =	ssyncadd.s32 $0xFFFF8000;
	s23 =	sor.u32 s23, s24  }
0x134: {  	v3 =	vld [tilespmem:s23+$0x0];
	_ =	sdelay $0x4  }
0x135: {  	v4 =	vshll.u32 v3, $0x2  }
0x136: {  	v3 =	vand.u32 $0x7, v3;
	v4 =	vand.u32 $0xFFFFFFE0, v4  }
0x137: {  	v3 =	vor.u32 v3, v4  }
0x138: {  	v4 =	vperm.xlane v3, v0;
	_ =	sdelay $0x1  }
0x139: {  	v4 =	vadd.s32 v1, v4;
	_ =	sdelay $0x1  }
0x13a: {  	v3 =	vperm.xlane v3, v2;
	_ =	sdelay $0x1  }
0x13b: {  	v3 =	vadd.s32 v1, v3  }
0x13c: {  	[tilespmem:s29], [sflag:$0x2] =	stream.indirect_vreg.gather [hbm4b:s1+s4], $0x80, v4, vm0, $0xb8;
	[tilespmem:$0x19000] =	vst v63  }
0x13d: {  	s25 =	simm.s32 $0x9800  }
0x13e: {  	[tilespmem:s25], [sflag:$0x2] =	stream.indirect_vreg.gather [hbm4b:s8+s4], $0x80, v4, vm0, $0xb8;
	[tilespmem:$0x19000] =	vst v63  }
0x13f: {  	s25 =	simm.s32 $0xA000  }
0x140: {  	[tilespmem:s25], [sflag:$0x2] =	stream.indirect_vreg.gather [hbm4b:s1+s4], $0x80, v3, vm0, $0xb8;
	[tilespmem:$0x19000] =	vst v63  }
0x141: {  	s25 =	simm.s32 $0xA800  }
0x142: {  	[tilespmem:s25], [sflag:$0x2] =	stream.indirect_vreg.gather [hbm4b:s8+s4], $0x80, v3, vm0, $0xb8;
	[tilespmem:$0x19000] =	vst v63  }
0x143: {  	v3 =	vld [tilespmem:s23+$0x10];
	_ =	sdelay $0x4  }
0x144: {  	v61 =	vshll.u32 v3, $0x2  }
0x145: {  	v3 =	vand.u32 $0x7, v3;
	v4 =	vand.u32 $0xFFFFFFE0, v61  }
0x146: {  	v3 =	vor.u32 v3, v4  }
0x147: {  	v4 =	vperm.xlane v3, v0;
	_ =	sdelay $0x1  }
0x148: {  	v4 =	vadd.s32 v1, v4;
	_ =	sdelay $0x1  }
0x149: {  	v3 =	vperm.xlane v3, v2;
	_ =	sdelay $0x1  }
0x14a: {  	s25 =	simm.s32 $0xB000;
	v3 =	vadd.s32 v1, v3  }
0x14b: {  	[tilespmem:s25], [sflag:$0x2] =	stream.indirect_vreg.gather [hbm4b:s1+s4], $0x80, v4, vm0, $0xb8;
	[tilespmem:$0x19000] =	vst v63  }
0x14c: {  	s25 =	simm.s32 $0xB800  }
0x14d: {  	[tilespmem:s25], [sflag:$0x2] =	stream.indirect_vreg.gather [hbm4b:s8+s4], $0x80, v4, vm0, $0xb8;
	[tilespmem:$0x19000] =	vst v63  }
0x14e: {  	s25 =	simm.s32 $0xC000  }
0x14f: {  	[tilespmem:s25], [sflag:$0x2] =	stream.indirect_vreg.gather [hbm4b:s1+s4], $0x80, v3, vm0, $0xb8;
	[tilespmem:$0x19000] =	vst v63  }
0x150: {  	s25 =	simm.s32 $0xC800  }
0x151: {  	[tilespmem:s25], [sflag:$0x2] =	stream.indirect_vreg.gather [hbm4b:s8+s4], $0x80, v3, vm0, $0xb8;
	[tilespmem:$0x19000] =	vst v63  }
0x152: {  	v3 =	vld [tilespmem:s23+$0x20];
	_ =	sdelay $0x4  }
0x153: {  	v62 =	vshll.u32 v3, $0x2  }
0x154: {  	v3 =	vand.u32 $0x7, v3;
	v4 =	vand.u32 $0xFFFFFFE0, v62  }
0x155: {  	v3 =	vor.u32 v3, v4  }
0x156: {  	v4 =	vperm.xlane v3, v0;
	_ =	sdelay $0x1  }
0x157: {  	v4 =	vadd.s32 v1, v4;
	_ =	sdelay $0x1  }
0x158: {  	v3 =	vperm.xlane v3, v2;
	_ =	sdelay $0x1  }
0x159: {  	s25 =	simm.s32 $0xD000;
	v3 =	vadd.s32 v1, v3  }
0x15a: {  	[tilespmem:s25], [sflag:$0x2] =	stream.indirect_vreg.gather [hbm4b:s1+s4], $0x80, v4, vm0, $0xb8;
	[tilespmem:$0x19000] =	vst v63  }
0x15b: {  	s25 =	simm.s32 $0xD800  }
0x15c: {  	[tilespmem:s25], [sflag:$0x2] =	stream.indirect_vreg.gather [hbm4b:s8+s4], $0x80, v4, vm0, $0xb8;
	[tilespmem:$0x19000] =	vst v63  }
0x15d: {  	s25 =	simm.s32 $0xE000  }
0x15e: {  	[tilespmem:s25], [sflag:$0x2] =	stream.indirect_vreg.gather [hbm4b:s1+s4], $0x80, v3, vm0, $0xb8;
	[tilespmem:$0x19000] =	vst v63  }
0x15f: {  	s25 =	simm.s32 $0xE800  }
0x160: {  	[tilespmem:s25], [sflag:$0x2] =	stream.indirect_vreg.gather [hbm4b:s8+s4], $0x80, v3, vm0, $0xb8;
	[tilespmem:$0x19000] =	vst v63  }
0x161: {  	v3 =	vld [tilespmem:s23+$0x30];
	_ =	sdelay $0x4  }
0x162: {  	v63 =	vshll.u32 v3, $0x2  }
0x163: {  	v3 =	vand.u32 $0x7, v3;
	v4 =	vand.u32 $0xFFFFFFE0, v63  }
0x164: {  	v3 =	vor.u32 v3, v4  }
0x165: {  	v4 =	vperm.xlane v3, v0;
	_ =	sdelay $0x1  }
0x166: {  	v4 =	vadd.s32 v1, v4;
	_ =	sdelay $0x2  }
0x167: {  	v3 =	vperm.xlane v3, v2  }
0x168: {  	s24 =	simm.s32 $0xF000  }
0x169: {  	v3 =	vadd.s32 v1, v3;
	[tilespmem:s24], [sflag:$0x2] =	stream.indirect_vreg.gather [hbm4b:s1+s4], $0x80, v4, vm0, $0xb8;
	[tilespmem:$0x19000] =	vst v63  }
0x16a: {  	s25 =	simm.s32 $0xF800  }
0x16b: {  	[tilespmem:s25], [sflag:$0x2] =	stream.indirect_vreg.gather [hbm4b:s8+s4], $0x80, v4, vm0, $0xb8;
	[tilespmem:$0x19000] =	vst v63  }
.Ltmp4:
0x16c: {  	_ = 	snop;
	(pc) =	sbr.rel .LBB2_2-.Ltmp4, $4  }
0x16d: {  	s17 =	sadd.s32 $0x300, s17;
	s18 =	sadd.s32 $0xC0, s18;
	s24 =	simm.s32 $0x10000  }
0x16e: {  	[tilespmem:s24], [sflag:$0x2] =	stream.indirect_vreg.gather [hbm4b:s1+s4], $0x80, v3, vm0, $0xb8;
	[tilespmem:$0x19000] =	vst v63  }
0x16f: {  	s22 =	sadd.s32 $0x1800, s22;
	s19 =	sadd.s32 $0x40, s19;
	s25 =	simm.s32 $0x10800  }
0x170: {  	[tilespmem:s25], [sflag:$0x2] =	stream.indirect_vreg.gather [hbm4b:s8+s4], $0x80, v3, vm0, $0xb8;
	[tilespmem:$0x19000] =	vst v63  }
.LBB2_7:
0x171: {  	_ =	sfence.sel $0x180000  }
0x172: {  	[bflag:$0x0] =	sbarrier.arrive $0xFFFF  }
0x173: {  	_ =	strace $0x90000047  }
0x174: {  	s0 =	stileid.u32;
	[bflag:$0x2] =	sbarrier.arrive $0xFFFF  }
0x175: {  	p0 =	sne.s32 s0, $0x0;
	s0 =	rddreg [dreg:$0x3]  }
0x176: {  	s0 =	sadd.s32 @!p0 $0x100000, s0  }
0x177: {  	[sflag:s0] =	ssyncadd.tile.s32 @!p0 $0x1;
	_ =	shalt  }
.Lfunc_end2:
_tile_overlayer_lowered:
.L_overlay_start_2:
0x178: {  	(tag) =	ssettag $0x2  }
0x179: {  	s0 =	rddreg [dreg:$0x0];
	s2 =	stileid.u32  }
0x17a: {  	s1 =	rddreg [dreg:$0x1];
	p0 =	sne.s32 s2, $0x0  }
0x17b: {  	s3 =	rddreg [dreg:$0x2];
	[bflag:$0x3] =	sbarrier.arrive $0xFFFF;
	s2 =	simm.s32 @!p0 $0x1C07  }
0x17c: {  	[timem:s3], [sflag:s2] =	dma.local @!p0 [hbm:s0], s1  }
0x17d: {  	s0 =	simm.s32 @!p0 $0x7  }
0x17e: {  	_ =	swait.ge @!p0 [sflag:s0], s1  }
0x17f: {  	s1 =	ssub.s32 @!p0 $0x0, s1;
	[sflag:s0] =	ssyncset.done @!p0 $0x0  }
0x180: {  	[sflag:s0] =	ssyncadd.s32 @!p0 s1  }
0x181: {  	[bflag:$0x3] =	sbarrier.arrive $0xFFFF  }
0x182: {  	_ =	shalt  }

</sc_bundles>
